<compile_context>
chip_gen: v7x
topology: tpu7x:2x2x1
jax: 0.10.2.dev20260603
libtpu: 0.0.44.dev20260713+nightly
codegen_flags: <defaults>
</compile_context>

<pallas_src>
import functools
import jax
import jax.numpy as jnp
from jax import lax
from jax.experimental import pallas as pl
from jax.experimental.pallas import tpu as pltpu
from jax.experimental.pallas import tpu_sc as plsc

N = 10000
P = 10240
E = 320000
D = 128
EPS = 1e-5

NC, NS, L = 2, 16, 16
NW = NC * NS
EW = E // NW
CH = 40
NCH = EW // CH
IBLK = 50
NBLK = NCH // IBLK
RPT = P // NS

@functools.cache
def _mesh():
    return plsc.VectorSubcoreMesh(
        core_axis_name="c", subcore_axis_name="s", num_cores=NC, num_subcores=NS
    )


def _deg_kernel_body(dst_hbm, out_hbm, dst_v, hist_v, sem):
    cid = lax.axis_index("c")
    sid = lax.axis_index("s")
    wid = sid * NC + cid
    pltpu.async_copy(dst_hbm.at[pl.ds(wid * EW, EW)], dst_v, sem)

    def zero_body(i, _):
        hist_v[pl.ds(i * L, L)] = jnp.zeros((L,), jnp.float32)
        return 0

    lax.fori_loop(0, P // L, zero_body, 0)
    pltpu.make_async_copy(dst_hbm.at[pl.ds(wid * EW, EW)], dst_v, sem).wait()

    ones = jnp.ones((L,), jnp.float32)

    def body(i, _):
        for u in range(5):
            idx = dst_v[pl.ds((i * 5 + u) * L, L)]
            plsc.addupdate_scatter(hist_v, [idx], ones)
        return 0

    lax.fori_loop(0, EW // L // 5, body, 0)
    pltpu.sync_copy(hist_v, out_hbm.at[wid])


@functools.cache
def _deg_kernel():
    return pl.kernel(
        _deg_kernel_body,
        out_type=jax.ShapeDtypeStruct((NW, P), jnp.float32),
        mesh=_mesh(),
        scratch_types=[
            pltpu.VMEM((EW,), jnp.int32),
            pltpu.VMEM((P,), jnp.float32),
            pltpu.SemaphoreType.DMA,
        ],
        compiler_params=pltpu.CompilerParams(needs_layout_passes=False),
    )


def _prescale_body(x_ref, w_ref, hist_ref, hp_ref, dinv_ref):
    deg = jnp.sum(hist_ref[...], axis=0) + 1.0
    dinv = lax.rsqrt(deg)
    xp = jnp.concatenate(
        [x_ref[...], jnp.zeros((P - N, D), jnp.float32)], axis=0)
    h = jnp.dot(xp, w_ref[...], preferred_element_type=jnp.float32)
    h3 = h.reshape(P // D, D, D) * dinv[:, :, None]
    hp_ref[...] = h3.reshape(P, D)
    dinv_ref[...] = dinv


def _prescale(x, w, hist):
    return pl.pallas_call(
        _prescale_body,
        out_shape=(
            jax.ShapeDtypeStruct((P, D), jnp.float32),
            jax.ShapeDtypeStruct((P // D, D), jnp.float32),
        ),
    )(x, w, hist)


NB = 5


def _scatter_kernel_body(hp_hbm, src_hbm, dst_hbm, out_hbm,
                         idx_src, idx_dst, *rest):
    rows = rest[:NB]
    gsems = rest[NB:2 * NB]
    acc_sh = rest[2 * NB]
    cid = lax.axis_index("c")
    sid = lax.axis_index("s")
    wid = sid * NC + cid
    row0 = sid * RPT

    pltpu.sync_copy(src_hbm.at[wid, 0], idx_src)
    pltpu.sync_copy(dst_hbm.at[wid, 0], idx_dst)
    for j in range(1, NB):
        pltpu.async_copy(hp_hbm.at[idx_src.at[j]], rows[j], gsems[j])

    def zbody(i, _):
        rows[0][i, pl.ds(0, L)] = jnp.zeros((L,), jnp.float32)
        for u in range(1, D // L):
            rows[0][i, pl.ds(u * L, L)] = jnp.zeros((L,), jnp.float32)
        return 0

    lax.fori_loop(0, CH, zbody, 0)
    for r in range(RPT // CH):
        pltpu.sync_copy(rows[0], acc_sh.at[pl.ds(row0 + r * CH, CH)])
    pltpu.async_copy(hp_hbm.at[idx_src.at[0]], rows[0], gsems[0])
    plsc.subcore_barrier()

    def block(blk, _):
        @pl.when(blk != 0)
        def _():
            pltpu.sync_copy(src_hbm.at[wid, blk], idx_src)
            pltpu.sync_copy(dst_hbm.at[wid, blk], idx_dst)
            for j in range(NB):
                pltpu.async_copy(hp_hbm.at[idx_src.at[j]], rows[j], gsems[j])

        def group(g, _):
            for j in range(NB):
                m = g * NB + j
                pltpu.make_async_copy(hp_hbm.at[idx_src.at[m]], rows[j],
                                      gsems[j]).wait()
                pltpu.sync_copy(rows[j], acc_sh.at[idx_dst.at[m]], add=True)
                n = m + NB

                @pl.when(n < IBLK)
                def _():
                    pltpu.async_copy(hp_hbm.at[idx_src.at[n]], rows[j],
                                     gsems[j])
            return 0

        lax.fori_loop(0, IBLK // NB, group, 0)
        return 0

    lax.fori_loop(0, NBLK, block, 0)
    plsc.subcore_barrier()

    pltpu.sync_copy(acc_sh.at[pl.ds(sid * RPT, RPT)],
                    out_hbm.at[cid, pl.ds(sid * RPT, RPT)])


@functools.cache
def _scatter_kernel():
    return pl.kernel(
        _scatter_kernel_body,
        out_type=jax.ShapeDtypeStruct((NC, P, D), jnp.float32),
        mesh=_mesh(),
        scratch_types=(
            [pltpu.VMEM((IBLK, CH), jnp.int32),
             pltpu.VMEM((IBLK, CH), jnp.int32)]
            + [pltpu.VMEM((CH, D), jnp.float32) for _ in range(NB)]
            + [pltpu.SemaphoreType.DMA for _ in range(NB)]
            + [pltpu.VMEM_SHARED((P, D), jnp.float32)]
        ),
        compiler_params=pltpu.CompilerParams(needs_layout_passes=False),
    )


def _bn_body(hp_ref, p_ref, dinv_ref, b_ref, gamma_ref, beta_ref, out_ref):
    s = hp_ref[...] + p_ref[0] + p_ref[1]
    s3 = s.reshape(P // D, D, D) * dinv_ref[...][:, :, None]
    pre = s3.reshape(P, D) + b_ref[...]
    pre = pre[:N]
    inv_n = 1.0 / float(N)
    mean = jnp.sum(pre, axis=0, keepdims=True) * inv_n
    var = jnp.sum(pre * pre, axis=0, keepdims=True) * inv_n - mean * mean
    scale = lax.rsqrt(var + EPS) * gamma_ref[...]
    out = (pre - mean) * scale + beta_ref[...]
    out_ref[...] = jnp.maximum(out, 0.0)


def _bn(hp, parts, dinv, b, gamma, beta):
    return pl.pallas_call(
        _bn_body,
        out_shape=jax.ShapeDtypeStruct((N, D), jnp.float32),
    )(hp, parts, dinv, b, gamma, beta)


def kernel(x, edge_index, batch, W, b, gamma, beta):
    src = edge_index[0].astype(jnp.int32)
    dst = edge_index[1].astype(jnp.int32)

    hist = _deg_kernel()(dst).reshape(NW, P // D, D)
    hp, dinv = _prescale(x, W, hist)
    src4 = src.reshape(NW, NBLK, IBLK, CH)
    dst4 = dst.reshape(NW, NBLK, IBLK, CH)
    parts = _scatter_kernel()(hp, src4, dst4)
    return _bn(hp, parts, dinv, b.reshape(1, D), gamma.reshape(1, D),
               beta.reshape(1, D))

# --- scband reference (transcript-rebuilt; emitter-appended) ---
"""Pipeline reference for scband-graph-block-52467320488062 (READ-ONLY COPY).

The authoritative reference and input builder live on the scoring server;
editing this copy changes nothing except your own understanding.
"""

import jax, jax.numpy as jnp
import numpy as np

N_NODES = 10000
N_EDGES = 320000
D_IN = 128
D_OUT = 128
EPS = 1e-5


def setup_inputs(seed: int = 0) -> dict:
    key = jax.random.key(seed)
    k1, k2, k3, k4, k5 = jax.random.split(key, 5)
    x = jax.random.normal(k1, (N_NODES, D_IN), dtype=jnp.float32)
    edge_index = jax.random.randint(k2, (2, N_EDGES), 0, N_NODES, dtype=jnp.int64)
    batch = jnp.sort(jax.random.randint(k3, (N_NODES,), 0, 64, dtype=jnp.int64))
    # GCNConv weight (glorot) and bias (zeros init in PyG; use small random here)
    W = jax.random.normal(k4, (D_IN, D_OUT), dtype=jnp.float32) * (1.0 / np.sqrt(D_IN))
    b = jnp.zeros((D_OUT,), dtype=jnp.float32)
    # BatchNorm affine params
    gamma = jnp.ones((D_OUT,), dtype=jnp.float32)
    beta = jnp.zeros((D_OUT,), dtype=jnp.float32)
    return {"x": x, "edge_index": edge_index, "batch": batch, "W": W, "b": b, "gamma": gamma, "beta": beta}


def _gcn_conv(x, edge_index, W, b):
    n = x.shape[0]
    # add self-loops (PyG GCNConv default add_self_loops=True)
    loop = jnp.arange(n, dtype=edge_index.dtype)
    src = jnp.concatenate([edge_index[0], loop])
    dst = jnp.concatenate([edge_index[1], loop])
    # linear transform first
    h = x @ W
    # symmetric normalization: deg computed on dst with unit edge weights
    deg = jnp.zeros((n,), dtype=h.dtype).at[dst].add(1.0)
    deg_inv_sqrt = jnp.where(deg > 0, jax.lax.rsqrt(deg), 0.0)
    norm = deg_inv_sqrt[src] * deg_inv_sqrt[dst]
    # message = x_j * norm, scatter-add aggregate at dst
    msg = h[src] * norm[:, None]
    out = jnp.zeros((n, h.shape[1]), dtype=h.dtype).at[dst].add(msg)
    return out + b


def _batch_norm(h, gamma, beta):
    mean = jnp.mean(h, axis=0)
    var = jnp.mean((h - mean) ** 2, axis=0)  # biased variance (training-mode BN)
    return (h - mean) * jax.lax.rsqrt(var + EPS) * gamma + beta


def reference(x, edge_index, batch, W, b, gamma, beta):
    h = _gcn_conv(x, edge_index, W, b)
    # pooling is None -> skip; batch unused
    h = _batch_norm(h, gamma, beta)
    h = jax.nn.relu(h)
    return h

if __name__ == "__main__":
    import jax
    _d = setup_inputs()
    print(jax.jit(kernel)(*tuple(_d.values())))

</pallas_src>

<mosaic_0001>
#map = affine_map<(d0, d1) -> (0)>
#map1 = affine_map<(d0, d1) -> (0, 0)>
module attributes {stable_mosaic.version = 14 : i64} {
  func.func @_deg_kernel_body(%arg0: i32, %arg1: i32, %arg2: memref<320000xi32, #tpu.memory_space<hbm>>, %arg3: memref<32x10240xf32, #tpu.memory_space<hbm>>, %arg4: memref<10000xi32, #tpu.memory_space<vmem>>, %arg5: memref<10240xf32, #tpu.memory_space<vmem>>, %arg6: memref<!tpu.dma_semaphore, #tpu.memory_space<semaphore_mem>>) attributes {dimension_semantics = [#tpu.dimension_semantics<core_parallel>, #tpu.dimension_semantics<subcore_parallel>], iteration_bounds = array<i64: 2, 16>, scalar_prefetch = 0 : i64, scratch_operands = 3 : i64, tpu.core_type = #tpu.core_type<sc_vector_subcore>, window_params = [{transform_indices = #map}, {transform_indices = #map1}]} {
    %mul3A = arith.constant 2 : i32
    %mul3A_0 = arith.muli %arg1, %mul3A : i32
    %add3A = arith.addi %mul3A_0, %arg0 : i32
    %mul3A_1 = arith.constant 10000 : i32
    %mul3A_2 = arith.muli %add3A, %mul3A_1 : i32
    %dma_start3A = tpu.memref_slice %arg2[%mul3A_2] : memref<320000xi32, #tpu.memory_space<hbm>> -> memref<10000xi32, #tpu.memory_space<hbm>>
    %dma_start3A_3 = tpu.memref_slice %arg2[%mul3A_2] : memref<320000xi32, #tpu.memory_space<hbm>> -> memref<10000xi32, #tpu.memory_space<hbm>>
    tpu.enqueue_dma source(%dma_start3A_3 : memref<10000xi32, #tpu.memory_space<hbm>>) target(%arg4 : memref<10000xi32, #tpu.memory_space<vmem>>) target_semaphore(%arg6 : memref<!tpu.dma_semaphore, #tpu.memory_space<semaphore_mem>>)
    %scan3A = arith.constant 0 : i32
    %scan3A_4 = arith.constant 0 : i32
    %scan3A_5 = arith.constant 640 : i32
    %scan3A_6 = arith.addi %scan3A_4, %scan3A_5 : i32
    %scan3A_7 = arith.constant 1 : i32
    %scan3A_8 = scf.for %scan3A_21 = %scan3A_4 to %scan3A_6 step %scan3A_7 iter_args(%scan3A_22 = %scan3A) -> (i32)  : i32 {
      %broadcast_in_dim3A_23 = arith.constant 0.000000e+00 : f32
      %broadcast_in_dim3A_24 = vector.broadcast %broadcast_in_dim3A_23 : f32 to vector<16xf32>
      %mul3A_25 = arith.constant 16 : i32
      %mul3A_26 = arith.muli %scan3A_21, %mul3A_25 : i32
      %swap3A = arith.index_cast %mul3A_26 : i32 to index
      %swap3A_27 = tpu.vector_load %arg5[%swap3A] {strides = array<i32>} : memref<10240xf32, #tpu.memory_space<vmem>>, vector<16xf32>,
      tpu.vector_store %arg5[%swap3A], %broadcast_in_dim3A_24 {strides = array<i32>} : memref<10240xf32, #tpu.memory_space<vmem>>, vector<16xf32>,
      %scan3A_28 = arith.constant 0 : i32
      scf.yield %scan3A_28 : i32
    }
    %scan3A_9 = arith.constant 640 : i32
    %mul3A_10 = arith.constant 10000 : i32
    %mul3A_11 = arith.muli %add3A, %mul3A_10 : i32
    %dma_wait3A = tpu.memref_slice %arg2[%mul3A_11] : memref<320000xi32, #tpu.memory_space<hbm>> -> memref<10000xi32, #tpu.memory_space<hbm>>
    %dma_wait3A_12 = tpu.memref_slice %arg2[%mul3A_11] : memref<320000xi32, #tpu.memory_space<hbm>> -> memref<10000xi32, #tpu.memory_space<hbm>>
    tpu.wait_dma2 semaphore(%arg6 : memref<!tpu.dma_semaphore, #tpu.memory_space<semaphore_mem>>) src(%dma_wait3A_12 : memref<10000xi32, #tpu.memory_space<hbm>>) dst(%arg4 : memref<10000xi32, #tpu.memory_space<vmem>>)
    %broadcast_in_dim3A = arith.constant 1.000000e+00 : f32
    %broadcast_in_dim3A_13 = vector.broadcast %broadcast_in_dim3A : f32 to vector<16xf32>
    %scan3A_14 = arith.constant 0 : i32
    %scan3A_15 = arith.constant 0 : i32
    %scan3A_16 = arith.constant 125 : i32
    %scan3A_17 = arith.addi %scan3A_15, %scan3A_16 : i32
    %scan3A_18 = arith.constant 1 : i32
    %scan3A_19 = scf.for %scan3A_21 = %scan3A_15 to %scan3A_17 step %scan3A_18 iter_args(%scan3A_22 = %scan3A_14) -> (i32)  : i32 {
      %mul3A_23 = arith.constant 5 : i32
      %mul3A_24 = arith.muli %scan3A_21, %mul3A_23 : i32
      %add3A_25 = arith.constant 0 : i32
      %add3A_26 = arith.addi %mul3A_24, %add3A_25 : i32
      %mul3A_27 = arith.constant 16 : i32
      %mul3A_28 = arith.muli %add3A_26, %mul3A_27 : i32
      %get3A = arith.index_cast %mul3A_28 : i32 to index
      %get3A_29 = tpu.vector_load %arg4[%get3A] {strides = array<i32>} : memref<10000xi32, #tpu.memory_space<vmem>>, vector<16xi32>,
      tpu.vector_store_idx %arg5[%get3A_29], %broadcast_in_dim3A_13 {add = true} : memref<10240xf32, #tpu.memory_space<vmem>>[vector<16xi32>], vector<16xf32>,
      %mul3A_30 = arith.constant 5 : i32
      %mul3A_31 = arith.muli %scan3A_21, %mul3A_30 : i32
      %add3A_32 = arith.constant 1 : i32
      %add3A_33 = arith.addi %mul3A_31, %add3A_32 : i32
      %mul3A_34 = arith.constant 16 : i32
      %mul3A_35 = arith.muli %add3A_33, %mul3A_34 : i32
      %get3A_36 = arith.index_cast %mul3A_35 : i32 to index
      %get3A_37 = tpu.vector_load %arg4[%get3A_36] {strides = array<i32>} : memref<10000xi32, #tpu.memory_space<vmem>>, vector<16xi32>,
      tpu.vector_store_idx %arg5[%get3A_37], %broadcast_in_dim3A_13 {add = true} : memref<10240xf32, #tpu.memory_space<vmem>>[vector<16xi32>], vector<16xf32>,
      %mul3A_38 = arith.constant 5 : i32
      %mul3A_39 = arith.muli %scan3A_21, %mul3A_38 : i32
      %add3A_40 = arith.constant 2 : i32
      %add3A_41 = arith.addi %mul3A_39, %add3A_40 : i32
      %mul3A_42 = arith.constant 16 : i32
      %mul3A_43 = arith.muli %add3A_41, %mul3A_42 : i32
      %get3A_44 = arith.index_cast %mul3A_43 : i32 to index
      %get3A_45 = tpu.vector_load %arg4[%get3A_44] {strides = array<i32>} : memref<10000xi32, #tpu.memory_space<vmem>>, vector<16xi32>,
      tpu.vector_store_idx %arg5[%get3A_45], %broadcast_in_dim3A_13 {add = true} : memref<10240xf32, #tpu.memory_space<vmem>>[vector<16xi32>], vector<16xf32>,
      %mul3A_46 = arith.constant 5 : i32
      %mul3A_47 = arith.muli %scan3A_21, %mul3A_46 : i32
      %add3A_48 = arith.constant 3 : i32
      %add3A_49 = arith.addi %mul3A_47, %add3A_48 : i32
      %mul3A_50 = arith.constant 16 : i32
      %mul3A_51 = arith.muli %add3A_49, %mul3A_50 : i32
      %get3A_52 = arith.index_cast %mul3A_51 : i32 to index
      %get3A_53 = tpu.vector_load %arg4[%get3A_52] {strides = array<i32>} : memref<10000xi32, #tpu.memory_space<vmem>>, vector<16xi32>,
      tpu.vector_store_idx %arg5[%get3A_53], %broadcast_in_dim3A_13 {add = true} : memref<10240xf32, #tpu.memory_space<vmem>>[vector<16xi32>], vector<16xf32>,
      %mul3A_54 = arith.constant 5 : i32
      %mul3A_55 = arith.muli %scan3A_21, %mul3A_54 : i32
      %add3A_56 = arith.constant 4 : i32
      %add3A_57 = arith.addi %mul3A_55, %add3A_56 : i32
      %mul3A_58 = arith.constant 16 : i32
      %mul3A_59 = arith.muli %add3A_57, %mul3A_58 : i32
      %get3A_60 = arith.index_cast %mul3A_59 : i32 to index
      %get3A_61 = tpu.vector_load %arg4[%get3A_60] {strides = array<i32>} : memref<10000xi32, #tpu.memory_space<vmem>>, vector<16xi32>,
      tpu.vector_store_idx %arg5[%get3A_61], %broadcast_in_dim3A_13 {add = true} : memref<10240xf32, #tpu.memory_space<vmem>>[vector<16xi32>], vector<16xf32>,
      %scan3A_62 = arith.constant 0 : i32
      scf.yield %scan3A_62 : i32
    }
    %scan3A_20 = arith.constant 125 : i32
    "tpu.region"() ({
      %run_scoped3A = tpu.sem_alloc : memref<!tpu.dma_semaphore, #tpu.memory_space<semaphore_mem>>
      %dma_start3A_21 = arith.constant 0 : i32
      %dma_start3A_22 = tpu.memref_slice %arg3[%add3A, %dma_start3A_21] : memref<32x10240xf32, #tpu.memory_space<hbm>> -> memref<1x10240xf32, #tpu.memory_space<hbm>>
      %dma_start3A_23 = tpu.memref_squeeze %dma_start3A_22 : memref<1x10240xf32, #tpu.memory_space<hbm>> -> memref<10240xf32, #tpu.memory_space<hbm>>
      %dma_start3A_24 = arith.constant 0 : i32
      %dma_start3A_25 = tpu.memref_slice %arg3[%add3A, %dma_start3A_24] : memref<32x10240xf32, #tpu.memory_space<hbm>> -> memref<1x10240xf32, #tpu.memory_space<hbm>>
      %dma_start3A_26 = tpu.memref_squeeze %dma_start3A_25 : memref<1x10240xf32, #tpu.memory_space<hbm>> -> memref<10240xf32, #tpu.memory_space<hbm>>
      tpu.enqueue_dma source(%arg5 : memref<10240xf32, #tpu.memory_space<vmem>>) target(%dma_start3A_26 : memref<10240xf32, #tpu.memory_space<hbm>>) target_semaphore(%run_scoped3A : memref<!tpu.dma_semaphore, #tpu.memory_space<semaphore_mem>>)
      %dma_wait3A_27 = arith.constant 0 : i32
      %dma_wait3A_28 = tpu.memref_slice %arg3[%add3A, %dma_wait3A_27] : memref<32x10240xf32, #tpu.memory_space<hbm>> -> memref<1x10240xf32, #tpu.memory_space<hbm>>
      %dma_wait3A_29 = tpu.memref_squeeze %dma_wait3A_28 : memref<1x10240xf32, #tpu.memory_space<hbm>> -> memref<10240xf32, #tpu.memory_space<hbm>>
      %dma_wait3A_30 = arith.constant 0 : i32
      %dma_wait3A_31 = tpu.memref_slice %arg3[%add3A, %dma_wait3A_30] : memref<32x10240xf32, #tpu.memory_space<hbm>> -> memref<1x10240xf32, #tpu.memory_space<hbm>>
      %dma_wait3A_32 = tpu.memref_squeeze %dma_wait3A_31 : memref<1x10240xf32, #tpu.memory_space<hbm>> -> memref<10240xf32, #tpu.memory_space<hbm>>
      tpu.wait_dma2 semaphore(%run_scoped3A : memref<!tpu.dma_semaphore, #tpu.memory_space<semaphore_mem>>) src(%arg5 : memref<10240xf32, #tpu.memory_space<vmem>>) dst(%dma_wait3A_32 : memref<10240xf32, #tpu.memory_space<hbm>>)
      tpu.yield
    }) : () -> ()
    return
  }
}

#map = affine_map<(d0, d1) -> (0, 0)>
#map1 = affine_map<(d0, d1) -> (0, 0, 0, 0)>
#map2 = affine_map<(d0, d1) -> (0, 0, 0)>
module attributes {stable_mosaic.version = 14 : i64} {
  func.func @_scatter_kernel_body(%arg0: i32, %arg1: i32, %arg2: memref<10240x128xf32, #tpu.memory_space<hbm>>, %arg3: memref<32x5x50x40xi32, #tpu.memory_space<hbm>>, %arg4: memref<32x5x50x40xi32, #tpu.memory_space<hbm>>, %arg5: memref<2x10240x128xf32, #tpu.memory_space<hbm>>, %arg6: memref<50x40xi32, #tpu.memory_space<vmem>>, %arg7: memref<50x40xi32, #tpu.memory_space<vmem>>, %arg8: memref<40x128xf32, #tpu.memory_space<vmem>>, %arg9: memref<40x128xf32, #tpu.memory_space<vmem>>, %arg10: memref<40x128xf32, #tpu.memory_space<vmem>>, %arg11: memref<40x128xf32, #tpu.memory_space<vmem>>, %arg12: memref<40x128xf32, #tpu.memory_space<vmem>>, %arg13: memref<!tpu.dma_semaphore, #tpu.memory_space<semaphore_mem>>, %arg14: memref<!tpu.dma_semaphore, #tpu.memory_space<semaphore_mem>>, %arg15: memref<!tpu.dma_semaphore, #tpu.memory_space<semaphore_mem>>, %arg16: memref<!tpu.dma_semaphore, #tpu.memory_space<semaphore_mem>>, %arg17: memref<!tpu.dma_semaphore, #tpu.memory_space<semaphore_mem>>, %arg18: memref<10240x128xf32, #tpu.memory_space<vmem_shared>>) attributes {dimension_semantics = [#tpu.dimension_semantics<core_parallel>, #tpu.dimension_semantics<subcore_parallel>], iteration_bounds = array<i64: 2, 16>, scalar_prefetch = 0 : i64, scratch_operands = 13 : i64, tpu.core_type = #tpu.core_type<sc_vector_subcore>, window_params = [{transform_indices = #map}, {transform_indices = #map1}, {transform_indices = #map1}, {transform_indices = #map2}]} {
    %mul3A = arith.constant 2 : i32
    %mul3A_0 = arith.muli %arg1, %mul3A : i32
    %add3A = arith.addi %mul3A_0, %arg0 : i32
    %mul3A_1 = arith.constant 640 : i32
    %mul3A_2 = arith.muli %arg1, %mul3A_1 : i32
    %run_scoped3A = arith.constant 0 : i32
    "tpu.region"() ({
      %run_scoped3A_88 = tpu.sem_alloc : memref<!tpu.dma_semaphore, #tpu.memory_space<semaphore_mem>>
      %dma_start3A_89 = arith.constant 0 : i32
      %dma_start3A_90 = arith.constant 0 : i32
      %dma_start3A_91 = tpu.memref_slice %arg3[%add3A, %run_scoped3A, %dma_start3A_89, %dma_start3A_90] : memref<32x5x50x40xi32, #tpu.memory_space<hbm>> -> memref<1x1x50x40xi32, #tpu.memory_space<hbm>>
      %dma_start3A_92 = tpu.memref_squeeze %dma_start3A_91 : memref<1x1x50x40xi32, #tpu.memory_space<hbm>> -> memref<50x40xi32, #tpu.memory_space<hbm>>
      %dma_start3A_93 = arith.constant 0 : i32
      %dma_start3A_94 = arith.constant 0 : i32
      %dma_start3A_95 = tpu.memref_slice %arg3[%add3A, %run_scoped3A, %dma_start3A_93, %dma_start3A_94] : memref<32x5x50x40xi32, #tpu.memory_space<hbm>> -> memref<1x1x50x40xi32, #tpu.memory_space<hbm>>
      %dma_start3A_96 = tpu.memref_squeeze %dma_start3A_95 : memref<1x1x50x40xi32, #tpu.memory_space<hbm>> -> memref<50x40xi32, #tpu.memory_space<hbm>>
      tpu.enqueue_dma source(%dma_start3A_96 : memref<50x40xi32, #tpu.memory_space<hbm>>) target(%arg6 : memref<50x40xi32, #tpu.memory_space<vmem>>) target_semaphore(%run_scoped3A_88 : memref<!tpu.dma_semaphore, #tpu.memory_space<semaphore_mem>>)
      %dma_wait3A = arith.constant 0 : i32
      %dma_wait3A_97 = arith.constant 0 : i32
      %dma_wait3A_98 = tpu.memref_slice %arg3[%add3A, %run_scoped3A, %dma_wait3A, %dma_wait3A_97] : memref<32x5x50x40xi32, #tpu.memory_space<hbm>> -> memref<1x1x50x40xi32, #tpu.memory_space<hbm>>
      %dma_wait3A_99 = tpu.memref_squeeze %dma_wait3A_98 : memref<1x1x50x40xi32, #tpu.memory_space<hbm>> -> memref<50x40xi32, #tpu.memory_space<hbm>>
      %dma_wait3A_100 = arith.constant 0 : i32
      %dma_wait3A_101 = arith.constant 0 : i32
      %dma_wait3A_102 = tpu.memref_slice %arg3[%add3A, %run_scoped3A, %dma_wait3A_100, %dma_wait3A_101] : memref<32x5x50x40xi32, #tpu.memory_space<hbm>> -> memref<1x1x50x40xi32, #tpu.memory_space<hbm>>
      %dma_wait3A_103 = tpu.memref_squeeze %dma_wait3A_102 : memref<1x1x50x40xi32, #tpu.memory_space<hbm>> -> memref<50x40xi32, #tpu.memory_space<hbm>>
      tpu.wait_dma2 semaphore(%run_scoped3A_88 : memref<!tpu.dma_semaphore, #tpu.memory_space<semaphore_mem>>) src(%dma_wait3A_103 : memref<50x40xi32, #tpu.memory_space<hbm>>) dst(%arg6 : memref<50x40xi32, #tpu.memory_space<vmem>>)
      tpu.yield
    }) : () -> ()
    %run_scoped3A_3 = arith.constant 0 : i32
    "tpu.region"() ({
      %run_scoped3A_88 = tpu.sem_alloc : memref<!tpu.dma_semaphore, #tpu.memory_space<semaphore_mem>>
      %dma_start3A_89 = arith.constant 0 : i32
      %dma_start3A_90 = arith.constant 0 : i32
      %dma_start3A_91 = tpu.memref_slice %arg4[%add3A, %run_scoped3A_3, %dma_start3A_89, %dma_start3A_90] : memref<32x5x50x40xi32, #tpu.memory_space<hbm>> -> memref<1x1x50x40xi32, #tpu.memory_space<hbm>>
      %dma_start3A_92 = tpu.memref_squeeze %dma_start3A_91 : memref<1x1x50x40xi32, #tpu.memory_space<hbm>> -> memref<50x40xi32, #tpu.memory_space<hbm>>
      %dma_start3A_93 = arith.constant 0 : i32
      %dma_start3A_94 = arith.constant 0 : i32
      %dma_start3A_95 = tpu.memref_slice %arg4[%add3A, %run_scoped3A_3, %dma_start3A_93, %dma_start3A_94] : memref<32x5x50x40xi32, #tpu.memory_space<hbm>> -> memref<1x1x50x40xi32, #tpu.memory_space<hbm>>
      %dma_start3A_96 = tpu.memref_squeeze %dma_start3A_95 : memref<1x1x50x40xi32, #tpu.memory_space<hbm>> -> memref<50x40xi32, #tpu.memory_space<hbm>>
      tpu.enqueue_dma source(%dma_start3A_96 : memref<50x40xi32, #tpu.memory_space<hbm>>) target(%arg7 : memref<50x40xi32, #tpu.memory_space<vmem>>) target_semaphore(%run_scoped3A_88 : memref<!tpu.dma_semaphore, #tpu.memory_space<semaphore_mem>>)
      %dma_wait3A = arith.constant 0 : i32
      %dma_wait3A_97 = arith.constant 0 : i32
      %dma_wait3A_98 = tpu.memref_slice %arg4[%add3A, %run_scoped3A_3, %dma_wait3A, %dma_wait3A_97] : memref<32x5x50x40xi32, #tpu.memory_space<hbm>> -> memref<1x1x50x40xi32, #tpu.memory_space<hbm>>
      %dma_wait3A_99 = tpu.memref_squeeze %dma_wait3A_98 : memref<1x1x50x40xi32, #tpu.memory_space<hbm>> -> memref<50x40xi32, #tpu.memory_space<hbm>>
      %dma_wait3A_100 = arith.constant 0 : i32
      %dma_wait3A_101 = arith.constant 0 : i32
      %dma_wait3A_102 = tpu.memref_slice %arg4[%add3A, %run_scoped3A_3, %dma_wait3A_100, %dma_wait3A_101] : memref<32x5x50x40xi32, #tpu.memory_space<hbm>> -> memref<1x1x50x40xi32, #tpu.memory_space<hbm>>
      %dma_wait3A_103 = tpu.memref_squeeze %dma_wait3A_102 : memref<1x1x50x40xi32, #tpu.memory_space<hbm>> -> memref<50x40xi32, #tpu.memory_space<hbm>>
      tpu.wait_dma2 semaphore(%run_scoped3A_88 : memref<!tpu.dma_semaphore, #tpu.memory_space<semaphore_mem>>) src(%dma_wait3A_103 : memref<50x40xi32, #tpu.memory_space<hbm>>) dst(%arg7 : memref<50x40xi32, #tpu.memory_space<vmem>>)
      tpu.yield
    }) : () -> ()
    %dma_start3A = arith.constant 1 : i32
    %dma_start3A_4 = arith.constant 0 : i32
    %dma_start3A_5 = tpu.memref_slice %arg6[%dma_start3A, %dma_start3A_4] : memref<50x40xi32, #tpu.memory_space<vmem>> -> memref<1x40xi32, #tpu.memory_space<vmem>>
    %dma_start3A_6 = tpu.memref_squeeze %dma_start3A_5 : memref<1x40xi32, #tpu.memory_space<vmem>> -> memref<40xi32, #tpu.memory_space<vmem>>
    %dma_start3A_7 = arith.constant 0 : i32
    %dma_start3A_8 = arith.constant 0 : i32
    %dma_start3A_9 = tpu.memref_slice %arg2[%dma_start3A_7, %dma_start3A_8] : memref<10240x128xf32, #tpu.memory_space<hbm>> -> memref<10240x128xf32, #tpu.memory_space<hbm>>
    tpu.enqueue_indirect_dma source(%dma_start3A_9 : memref<10240x128xf32, #tpu.memory_space<hbm>>) target(%arg9 : memref<40x128xf32, #tpu.memory_space<vmem>>) offsets(%dma_start3A_6 : memref<40xi32, #tpu.memory_space<vmem>>) semaphore(%arg14 : memref<!tpu.dma_semaphore, #tpu.memory_space<semaphore_mem>>)
    %dma_start3A_10 = arith.constant 2 : i32
    %dma_start3A_11 = arith.constant 0 : i32
    %dma_start3A_12 = tpu.memref_slice %arg6[%dma_start3A_10, %dma_start3A_11] : memref<50x40xi32, #tpu.memory_space<vmem>> -> memref<1x40xi32, #tpu.memory_space<vmem>>
    %dma_start3A_13 = tpu.memref_squeeze %dma_start3A_12 : memref<1x40xi32, #tpu.memory_space<vmem>> -> memref<40xi32, #tpu.memory_space<vmem>>
    %dma_start3A_14 = arith.constant 0 : i32
    %dma_start3A_15 = arith.constant 0 : i32
    %dma_start3A_16 = tpu.memref_slice %arg2[%dma_start3A_14, %dma_start3A_15] : memref<10240x128xf32, #tpu.memory_space<hbm>> -> memref<10240x128xf32, #tpu.memory_space<hbm>>
    tpu.enqueue_indirect_dma source(%dma_start3A_16 : memref<10240x128xf32, #tpu.memory_space<hbm>>) target(%arg10 : memref<40x128xf32, #tpu.memory_space<vmem>>) offsets(%dma_start3A_13 : memref<40xi32, #tpu.memory_space<vmem>>) semaphore(%arg15 : memref<!tpu.dma_semaphore, #tpu.memory_space<semaphore_mem>>)
    %dma_start3A_17 = arith.constant 3 : i32
    %dma_start3A_18 = arith.constant 0 : i32
    %dma_start3A_19 = tpu.memref_slice %arg6[%dma_start3A_17, %dma_start3A_18] : memref<50x40xi32, #tpu.memory_space<vmem>> -> memref<1x40xi32, #tpu.memory_space<vmem>>
    %dma_start3A_20 = tpu.memref_squeeze %dma_start3A_19 : memref<1x40xi32, #tpu.memory_space<vmem>> -> memref<40xi32, #tpu.memory_space<vmem>>
    %dma_start3A_21 = arith.constant 0 : i32
    %dma_start3A_22 = arith.constant 0 : i32
    %dma_start3A_23 = tpu.memref_slice %arg2[%dma_start3A_21, %dma_start3A_22] : memref<10240x128xf32, #tpu.memory_space<hbm>> -> memref<10240x128xf32, #tpu.memory_space<hbm>>
    tpu.enqueue_indirect_dma source(%dma_start3A_23 : memref<10240x128xf32, #tpu.memory_space<hbm>>) target(%arg11 : memref<40x128xf32, #tpu.memory_space<vmem>>) offsets(%dma_start3A_20 : memref<40xi32, #tpu.memory_space<vmem>>) semaphore(%arg16 : memref<!tpu.dma_semaphore, #tpu.memory_space<semaphore_mem>>)
    %dma_start3A_24 = arith.constant 4 : i32
    %dma_start3A_25 = arith.constant 0 : i32
    %dma_start3A_26 = tpu.memref_slice %arg6[%dma_start3A_24, %dma_start3A_25] : memref<50x40xi32, #tpu.memory_space<vmem>> -> memref<1x40xi32, #tpu.memory_space<vmem>>
    %dma_start3A_27 = tpu.memref_squeeze %dma_start3A_26 : memref<1x40xi32, #tpu.memory_space<vmem>> -> memref<40xi32, #tpu.memory_space<vmem>>
    %dma_start3A_28 = arith.constant 0 : i32
    %dma_start3A_29 = arith.constant 0 : i32
    %dma_start3A_30 = tpu.memref_slice %arg2[%dma_start3A_28, %dma_start3A_29] : memref<10240x128xf32, #tpu.memory_space<hbm>> -> memref<10240x128xf32, #tpu.memory_space<hbm>>
    tpu.enqueue_indirect_dma source(%dma_start3A_30 : memref<10240x128xf32, #tpu.memory_space<hbm>>) target(%arg12 : memref<40x128xf32, #tpu.memory_space<vmem>>) offsets(%dma_start3A_27 : memref<40xi32, #tpu.memory_space<vmem>>) semaphore(%arg17 : memref<!tpu.dma_semaphore, #tpu.memory_space<semaphore_mem>>)
    %scan3A = arith.constant 0 : i32
    %scan3A_31 = arith.constant 0 : i32
    %scan3A_32 = arith.constant 40 : i32
    %scan3A_33 = arith.addi %scan3A_31, %scan3A_32 : i32
    %scan3A_34 = arith.constant 1 : i32
    %scan3A_35 = scf.for %scan3A_88 = %scan3A_31 to %scan3A_33 step %scan3A_34 iter_args(%scan3A_89 = %scan3A) -> (i32)  : i32 {
      %broadcast_in_dim3A = arith.constant 0.000000e+00 : f32
      %broadcast_in_dim3A_90 = vector.broadcast %broadcast_in_dim3A : f32 to vector<16xf32>
      %swap3A = arith.index_cast %scan3A_88 : i32 to index
      %swap3A_91 = arith.constant 0 : index
      %swap3A_92 = tpu.vector_load %arg8[%swap3A, %swap3A_91] {strides = array<i32>} : memref<40x128xf32, #tpu.memory_space<vmem>>, vector<16xf32>,
      tpu.vector_store %arg8[%swap3A, %swap3A_91], %broadcast_in_dim3A_90 {strides = array<i32>} : memref<40x128xf32, #tpu.memory_space<vmem>>, vector<16xf32>,
      %broadcast_in_dim3A_93 = arith.constant 0.000000e+00 : f32
      %broadcast_in_dim3A_94 = vector.broadcast %broadcast_in_dim3A_93 : f32 to vector<16xf32>
      %swap3A_95 = arith.index_cast %scan3A_88 : i32 to index
      %swap3A_96 = arith.constant 16 : index
      %swap3A_97 = tpu.vector_load %arg8[%swap3A_95, %swap3A_96] {strides = array<i32>} : memref<40x128xf32, #tpu.memory_space<vmem>>, vector<16xf32>,
      tpu.vector_store %arg8[%swap3A_95, %swap3A_96], %broadcast_in_dim3A_94 {strides = array<i32>} : memref<40x128xf32, #tpu.memory_space<vmem>>, vector<16xf32>,
      %broadcast_in_dim3A_98 = arith.constant 0.000000e+00 : f32
      %broadcast_in_dim3A_99 = vector.broadcast %broadcast_in_dim3A_98 : f32 to vector<16xf32>
      %swap3A_100 = arith.index_cast %scan3A_88 : i32 to index
      %swap3A_101 = arith.constant 32 : index
      %swap3A_102 = tpu.vector_load %arg8[%swap3A_100, %swap3A_101] {strides = array<i32>} : memref<40x128xf32, #tpu.memory_space<vmem>>, vector<16xf32>,
      tpu.vector_store %arg8[%swap3A_100, %swap3A_101], %broadcast_in_dim3A_99 {strides = array<i32>} : memref<40x128xf32, #tpu.memory_space<vmem>>, vector<16xf32>,
      %broadcast_in_dim3A_103 = arith.constant 0.000000e+00 : f32
      %broadcast_in_dim3A_104 = vector.broadcast %broadcast_in_dim3A_103 : f32 to vector<16xf32>
      %swap3A_105 = arith.index_cast %scan3A_88 : i32 to index
      %swap3A_106 = arith.constant 48 : index
      %swap3A_107 = tpu.vector_load %arg8[%swap3A_105, %swap3A_106] {strides = array<i32>} : memref<40x128xf32, #tpu.memory_space<vmem>>, vector<16xf32>,
      tpu.vector_store %arg8[%swap3A_105, %swap3A_106], %broadcast_in_dim3A_104 {strides = array<i32>} : memref<40x128xf32, #tpu.memory_space<vmem>>, vector<16xf32>,
      %broadcast_in_dim3A_108 = arith.constant 0.000000e+00 : f32
      %broadcast_in_dim3A_109 = vector.broadcast %broadcast_in_dim3A_108 : f32 to vector<16xf32>
      %swap3A_110 = arith.index_cast %scan3A_88 : i32 to index
      %swap3A_111 = arith.constant 64 : index
      %swap3A_112 = tpu.vector_load %arg8[%swap3A_110, %swap3A_111] {strides = array<i32>} : memref<40x128xf32, #tpu.memory_space<vmem>>, vector<16xf32>,
      tpu.vector_store %arg8[%swap3A_110, %swap3A_111], %broadcast_in_dim3A_109 {strides = array<i32>} : memref<40x128xf32, #tpu.memory_space<vmem>>, vector<16xf32>,
      %broadcast_in_dim3A_113 = arith.constant 0.000000e+00 : f32
      %broadcast_in_dim3A_114 = vector.broadcast %broadcast_in_dim3A_113 : f32 to vector<16xf32>
      %swap3A_115 = arith.index_cast %scan3A_88 : i32 to index
      %swap3A_116 = arith.constant 80 : index
      %swap3A_117 = tpu.vector_load %arg8[%swap3A_115, %swap3A_116] {strides = array<i32>} : memref<40x128xf32, #tpu.memory_space<vmem>>, vector<16xf32>,
      tpu.vector_store %arg8[%swap3A_115, %swap3A_116], %broadcast_in_dim3A_114 {strides = array<i32>} : memref<40x128xf32, #tpu.memory_space<vmem>>, vector<16xf32>,
      %broadcast_in_dim3A_118 = arith.constant 0.000000e+00 : f32
      %broadcast_in_dim3A_119 = vector.broadcast %broadcast_in_dim3A_118 : f32 to vector<16xf32>
      %swap3A_120 = arith.index_cast %scan3A_88 : i32 to index
      %swap3A_121 = arith.constant 96 : index
      %swap3A_122 = tpu.vector_load %arg8[%swap3A_120, %swap3A_121] {strides = array<i32>} : memref<40x128xf32, #tpu.memory_space<vmem>>, vector<16xf32>,
      tpu.vector_store %arg8[%swap3A_120, %swap3A_121], %broadcast_in_dim3A_119 {strides = array<i32>} : memref<40x128xf32, #tpu.memory_space<vmem>>, vector<16xf32>,
      %broadcast_in_dim3A_123 = arith.constant 0.000000e+00 : f32
      %broadcast_in_dim3A_124 = vector.broadcast %broadcast_in_dim3A_123 : f32 to vector<16xf32>
      %swap3A_125 = arith.index_cast %scan3A_88 : i32 to index
      %swap3A_126 = arith.constant 112 : index
      %swap3A_127 = tpu.vector_load %arg8[%swap3A_125, %swap3A_126] {strides = array<i32>} : memref<40x128xf32, #tpu.memory_space<vmem>>, vector<16xf32>,
      tpu.vector_store %arg8[%swap3A_125, %swap3A_126], %broadcast_in_dim3A_124 {strides = array<i32>} : memref<40x128xf32, #tpu.memory_space<vmem>>, vector<16xf32>,
      %scan3A_128 = arith.constant 0 : i32
      scf.yield %scan3A_128 : i32
    }
    %scan3A_36 = arith.constant 40 : i32
    %add3A_37 = arith.constant 0 : i32
    %add3A_38 = arith.addi %mul3A_2, %add3A_37 : i32
    "tpu.region"() ({
      %run_scoped3A_88 = tpu.sem_alloc : memref<!tpu.dma_semaphore, #tpu.memory_space<semaphore_mem>>
      %dma_start3A_89 = arith.constant 0 : i32
      %dma_start3A_90 = tpu.memref_slice %arg18[%add3A_38, %dma_start3A_89] : memref<10240x128xf32, #tpu.memory_space<vmem_shared>> -> memref<40x128xf32, #tpu.memory_space<vmem_shared>>
      %dma_start3A_91 = arith.constant 0 : i32
      %dma_start3A_92 = tpu.memref_slice %arg18[%add3A_38, %dma_start3A_91] : memref<10240x128xf32, #tpu.memory_space<vmem_shared>> -> memref<40x128xf32, #tpu.memory_space<vmem_shared>>
      tpu.enqueue_dma source(%arg8 : memref<40x128xf32, #tpu.memory_space<vmem>>) target(%dma_start3A_92 : memref<40x128xf32, #tpu.memory_space<vmem_shared>>) target_semaphore(%run_scoped3A_88 : memref<!tpu.dma_semaphore, #tpu.memory_space<semaphore_mem>>)
      %dma_wait3A = arith.constant 0 : i32
      %dma_wait3A_93 = tpu.memref_slice %arg18[%add3A_38, %dma_wait3A] : memref<10240x128xf32, #tpu.memory_space<vmem_shared>> -> memref<40x128xf32, #tpu.memory_space<vmem_shared>>
      %dma_wait3A_94 = arith.constant 0 : i32
      %dma_wait3A_95 = tpu.memref_slice %arg18[%add3A_38, %dma_wait3A_94] : memref<10240x128xf32, #tpu.memory_space<vmem_shared>> -> memref<40x128xf32, #tpu.memory_space<vmem_shared>>
      tpu.wait_dma2 semaphore(%run_scoped3A_88 : memref<!tpu.dma_semaphore, #tpu.memory_space<semaphore_mem>>) src(%arg8 : memref<40x128xf32, #tpu.memory_space<vmem>>) dst(%dma_wait3A_95 : memref<40x128xf32, #tpu.memory_space<vmem_shared>>)
      tpu.yield
    }) : () -> ()
    %add3A_39 = arith.constant 40 : i32
    %add3A_40 = arith.addi %mul3A_2, %add3A_39 : i32
    "tpu.region"() ({
      %run_scoped3A_88 = tpu.sem_alloc : memref<!tpu.dma_semaphore, #tpu.memory_space<semaphore_mem>>
      %dma_start3A_89 = arith.constant 0 : i32
      %dma_start3A_90 = tpu.memref_slice %arg18[%add3A_40, %dma_start3A_89] : memref<10240x128xf32, #tpu.memory_space<vmem_shared>> -> memref<40x128xf32, #tpu.memory_space<vmem_shared>>
      %dma_start3A_91 = arith.constant 0 : i32
      %dma_start3A_92 = tpu.memref_slice %arg18[%add3A_40, %dma_start3A_91] : memref<10240x128xf32, #tpu.memory_space<vmem_shared>> -> memref<40x128xf32, #tpu.memory_space<vmem_shared>>
      tpu.enqueue_dma source(%arg8 : memref<40x128xf32, #tpu.memory_space<vmem>>) target(%dma_start3A_92 : memref<40x128xf32, #tpu.memory_space<vmem_shared>>) target_semaphore(%run_scoped3A_88 : memref<!tpu.dma_semaphore, #tpu.memory_space<semaphore_mem>>)
      %dma_wait3A = arith.constant 0 : i32
      %dma_wait3A_93 = tpu.memref_slice %arg18[%add3A_40, %dma_wait3A] : memref<10240x128xf32, #tpu.memory_space<vmem_shared>> -> memref<40x128xf32, #tpu.memory_space<vmem_shared>>
      %dma_wait3A_94 = arith.constant 0 : i32
      %dma_wait3A_95 = tpu.memref_slice %arg18[%add3A_40, %dma_wait3A_94] : memref<10240x128xf32, #tpu.memory_space<vmem_shared>> -> memref<40x128xf32, #tpu.memory_space<vmem_shared>>
      tpu.wait_dma2 semaphore(%run_scoped3A_88 : memref<!tpu.dma_semaphore, #tpu.memory_space<semaphore_mem>>) src(%arg8 : memref<40x128xf32, #tpu.memory_space<vmem>>) dst(%dma_wait3A_95 : memref<40x128xf32, #tpu.memory_space<vmem_shared>>)
      tpu.yield
    }) : () -> ()
    %add3A_41 = arith.constant 80 : i32
    %add3A_42 = arith.addi %mul3A_2, %add3A_41 : i32
    "tpu.region"() ({
      %run_scoped3A_88 = tpu.sem_alloc : memref<!tpu.dma_semaphore, #tpu.memory_space<semaphore_mem>>
      %dma_start3A_89 = arith.constant 0 : i32
      %dma_start3A_90 = tpu.memref_slice %arg18[%add3A_42, %dma_start3A_89] : memref<10240x128xf32, #tpu.memory_space<vmem_shared>> -> memref<40x128xf32, #tpu.memory_space<vmem_shared>>
      %dma_start3A_91 = arith.constant 0 : i32
      %dma_start3A_92 = tpu.memref_slice %arg18[%add3A_42, %dma_start3A_91] : memref<10240x128xf32, #tpu.memory_space<vmem_shared>> -> memref<40x128xf32, #tpu.memory_space<vmem_shared>>
      tpu.enqueue_dma source(%arg8 : memref<40x128xf32, #tpu.memory_space<vmem>>) target(%dma_start3A_92 : memref<40x128xf32, #tpu.memory_space<vmem_shared>>) target_semaphore(%run_scoped3A_88 : memref<!tpu.dma_semaphore, #tpu.memory_space<semaphore_mem>>)
      %dma_wait3A = arith.constant 0 : i32
      %dma_wait3A_93 = tpu.memref_slice %arg18[%add3A_42, %dma_wait3A] : memref<10240x128xf32, #tpu.memory_space<vmem_shared>> -> memref<40x128xf32, #tpu.memory_space<vmem_shared>>
      %dma_wait3A_94 = arith.constant 0 : i32
      %dma_wait3A_95 = tpu.memref_slice %arg18[%add3A_42, %dma_wait3A_94] : memref<10240x128xf32, #tpu.memory_space<vmem_shared>> -> memref<40x128xf32, #tpu.memory_space<vmem_shared>>
      tpu.wait_dma2 semaphore(%run_scoped3A_88 : memref<!tpu.dma_semaphore, #tpu.memory_space<semaphore_mem>>) src(%arg8 : memref<40x128xf32, #tpu.memory_space<vmem>>) dst(%dma_wait3A_95 : memref<40x128xf32, #tpu.memory_space<vmem_shared>>)
      tpu.yield
    }) : () -> ()
    %add3A_43 = arith.constant 120 : i32
    %add3A_44 = arith.addi %mul3A_2, %add3A_43 : i32
    "tpu.region"() ({
      %run_scoped3A_88 = tpu.sem_alloc : memref<!tpu.dma_semaphore, #tpu.memory_space<semaphore_mem>>
      %dma_start3A_89 = arith.constant 0 : i32
      %dma_start3A_90 = tpu.memref_slice %arg18[%add3A_44, %dma_start3A_89] : memref<10240x128xf32, #tpu.memory_space<vmem_shared>> -> memref<40x128xf32, #tpu.memory_space<vmem_shared>>
      %dma_start3A_91 = arith.constant 0 : i32
      %dma_start3A_92 = tpu.memref_slice %arg18[%add3A_44, %dma_start3A_91] : memref<10240x128xf32, #tpu.memory_space<vmem_shared>> -> memref<40x128xf32, #tpu.memory_space<vmem_shared>>
      tpu.enqueue_dma source(%arg8 : memref<40x128xf32, #tpu.memory_space<vmem>>) target(%dma_start3A_92 : memref<40x128xf32, #tpu.memory_space<vmem_shared>>) target_semaphore(%run_scoped3A_88 : memref<!tpu.dma_semaphore, #tpu.memory_space<semaphore_mem>>)
      %dma_wait3A = arith.constant 0 : i32
      %dma_wait3A_93 = tpu.memref_slice %arg18[%add3A_44, %dma_wait3A] : memref<10240x128xf32, #tpu.memory_space<vmem_shared>> -> memref<40x128xf32, #tpu.memory_space<vmem_shared>>
      %dma_wait3A_94 = arith.constant 0 : i32
      %dma_wait3A_95 = tpu.memref_slice %arg18[%add3A_44, %dma_wait3A_94] : memref<10240x128xf32, #tpu.memory_space<vmem_shared>> -> memref<40x128xf32, #tpu.memory_space<vmem_shared>>
      tpu.wait_dma2 semaphore(%run_scoped3A_88 : memref<!tpu.dma_semaphore, #tpu.memory_space<semaphore_mem>>) src(%arg8 : memref<40x128xf32, #tpu.memory_space<vmem>>) dst(%dma_wait3A_95 : memref<40x128xf32, #tpu.memory_space<vmem_shared>>)
      tpu.yield
    }) : () -> ()
    %add3A_45 = arith.constant 160 : i32
    %add3A_46 = arith.addi %mul3A_2, %add3A_45 : i32
    "tpu.region"() ({
      %run_scoped3A_88 = tpu.sem_alloc : memref<!tpu.dma_semaphore, #tpu.memory_space<semaphore_mem>>
      %dma_start3A_89 = arith.constant 0 : i32
      %dma_start3A_90 = tpu.memref_slice %arg18[%add3A_46, %dma_start3A_89] : memref<10240x128xf32, #tpu.memory_space<vmem_shared>> -> memref<40x128xf32, #tpu.memory_space<vmem_shared>>
      %dma_start3A_91 = arith.constant 0 : i32
      %dma_start3A_92 = tpu.memref_slice %arg18[%add3A_46, %dma_start3A_91] : memref<10240x128xf32, #tpu.memory_space<vmem_shared>> -> memref<40x128xf32, #tpu.memory_space<vmem_shared>>
      tpu.enqueue_dma source(%arg8 : memref<40x128xf32, #tpu.memory_space<vmem>>) target(%dma_start3A_92 : memref<40x128xf32, #tpu.memory_space<vmem_shared>>) target_semaphore(%run_scoped3A_88 : memref<!tpu.dma_semaphore, #tpu.memory_space<semaphore_mem>>)
      %dma_wait3A = arith.constant 0 : i32
      %dma_wait3A_93 = tpu.memref_slice %arg18[%add3A_46, %dma_wait3A] : memref<10240x128xf32, #tpu.memory_space<vmem_shared>> -> memref<40x128xf32, #tpu.memory_space<vmem_shared>>
      %dma_wait3A_94 = arith.constant 0 : i32
      %dma_wait3A_95 = tpu.memref_slice %arg18[%add3A_46, %dma_wait3A_94] : memref<10240x128xf32, #tpu.memory_space<vmem_shared>> -> memref<40x128xf32, #tpu.memory_space<vmem_shared>>
      tpu.wait_dma2 semaphore(%run_scoped3A_88 : memref<!tpu.dma_semaphore, #tpu.memory_space<semaphore_mem>>) src(%arg8 : memref<40x128xf32, #tpu.memory_space<vmem>>) dst(%dma_wait3A_95 : memref<40x128xf32, #tpu.memory_space<vmem_shared>>)
      tpu.yield
    }) : () -> ()
    %add3A_47 = arith.constant 200 : i32
    %add3A_48 = arith.addi %mul3A_2, %add3A_47 : i32
    "tpu.region"() ({
      %run_scoped3A_88 = tpu.sem_alloc : memref<!tpu.dma_semaphore, #tpu.memory_space<semaphore_mem>>
      %dma_start3A_89 = arith.constant 0 : i32
      %dma_start3A_90 = tpu.memref_slice %arg18[%add3A_48, %dma_start3A_89] : memref<10240x128xf32, #tpu.memory_space<vmem_shared>> -> memref<40x128xf32, #tpu.memory_space<vmem_shared>>
      %dma_start3A_91 = arith.constant 0 : i32
      %dma_start3A_92 = tpu.memref_slice %arg18[%add3A_48, %dma_start3A_91] : memref<10240x128xf32, #tpu.memory_space<vmem_shared>> -> memref<40x128xf32, #tpu.memory_space<vmem_shared>>
      tpu.enqueue_dma source(%arg8 : memref<40x128xf32, #tpu.memory_space<vmem>>) target(%dma_start3A_92 : memref<40x128xf32, #tpu.memory_space<vmem_shared>>) target_semaphore(%run_scoped3A_88 : memref<!tpu.dma_semaphore, #tpu.memory_space<semaphore_mem>>)
      %dma_wait3A = arith.constant 0 : i32
      %dma_wait3A_93 = tpu.memref_slice %arg18[%add3A_48, %dma_wait3A] : memref<10240x128xf32, #tpu.memory_space<vmem_shared>> -> memref<40x128xf32, #tpu.memory_space<vmem_shared>>
      %dma_wait3A_94 = arith.constant 0 : i32
      %dma_wait3A_95 = tpu.memref_slice %arg18[%add3A_48, %dma_wait3A_94] : memref<10240x128xf32, #tpu.memory_space<vmem_shared>> -> memref<40x128xf32, #tpu.memory_space<vmem_shared>>
      tpu.wait_dma2 semaphore(%run_scoped3A_88 : memref<!tpu.dma_semaphore, #tpu.memory_space<semaphore_mem>>) src(%arg8 : memref<40x128xf32, #tpu.memory_space<vmem>>) dst(%dma_wait3A_95 : memref<40x128xf32, #tpu.memory_space<vmem_shared>>)
      tpu.yield
    }) : () -> ()
    %add3A_49 = arith.constant 240 : i32
    %add3A_50 = arith.addi %mul3A_2, %add3A_49 : i32
    "tpu.region"() ({
      %run_scoped3A_88 = tpu.sem_alloc : memref<!tpu.dma_semaphore, #tpu.memory_space<semaphore_mem>>
      %dma_start3A_89 = arith.constant 0 : i32
      %dma_start3A_90 = tpu.memref_slice %arg18[%add3A_50, %dma_start3A_89] : memref<10240x128xf32, #tpu.memory_space<vmem_shared>> -> memref<40x128xf32, #tpu.memory_space<vmem_shared>>
      %dma_start3A_91 = arith.constant 0 : i32
      %dma_start3A_92 = tpu.memref_slice %arg18[%add3A_50, %dma_start3A_91] : memref<10240x128xf32, #tpu.memory_space<vmem_shared>> -> memref<40x128xf32, #tpu.memory_space<vmem_shared>>
      tpu.enqueue_dma source(%arg8 : memref<40x128xf32, #tpu.memory_space<vmem>>) target(%dma_start3A_92 : memref<40x128xf32, #tpu.memory_space<vmem_shared>>) target_semaphore(%run_scoped3A_88 : memref<!tpu.dma_semaphore, #tpu.memory_space<semaphore_mem>>)
      %dma_wait3A = arith.constant 0 : i32
      %dma_wait3A_93 = tpu.memref_slice %arg18[%add3A_50, %dma_wait3A] : memref<10240x128xf32, #tpu.memory_space<vmem_shared>> -> memref<40x128xf32, #tpu.memory_space<vmem_shared>>
      %dma_wait3A_94 = arith.constant 0 : i32
      %dma_wait3A_95 = tpu.memref_slice %arg18[%add3A_50, %dma_wait3A_94] : memref<10240x128xf32, #tpu.memory_space<vmem_shared>> -> memref<40x128xf32, #tpu.memory_space<vmem_shared>>
      tpu.wait_dma2 semaphore(%run_scoped3A_88 : memref<!tpu.dma_semaphore, #tpu.memory_space<semaphore_mem>>) src(%arg8 : memref<40x128xf32, #tpu.memory_space<vmem>>) dst(%dma_wait3A_95 : memref<40x128xf32, #tpu.memory_space<vmem_shared>>)
      tpu.yield
    }) : () -> ()
    %add3A_51 = arith.constant 280 : i32
    %add3A_52 = arith.addi %mul3A_2, %add3A_51 : i32
    "tpu.region"() ({
      %run_scoped3A_88 = tpu.sem_alloc : memref<!tpu.dma_semaphore, #tpu.memory_space<semaphore_mem>>
      %dma_start3A_89 = arith.constant 0 : i32
      %dma_start3A_90 = tpu.memref_slice %arg18[%add3A_52, %dma_start3A_89] : memref<10240x128xf32, #tpu.memory_space<vmem_shared>> -> memref<40x128xf32, #tpu.memory_space<vmem_shared>>
      %dma_start3A_91 = arith.constant 0 : i32
      %dma_start3A_92 = tpu.memref_slice %arg18[%add3A_52, %dma_start3A_91] : memref<10240x128xf32, #tpu.memory_space<vmem_shared>> -> memref<40x128xf32, #tpu.memory_space<vmem_shared>>
      tpu.enqueue_dma source(%arg8 : memref<40x128xf32, #tpu.memory_space<vmem>>) target(%dma_start3A_92 : memref<40x128xf32, #tpu.memory_space<vmem_shared>>) target_semaphore(%run_scoped3A_88 : memref<!tpu.dma_semaphore, #tpu.memory_space<semaphore_mem>>)
      %dma_wait3A = arith.constant 0 : i32
      %dma_wait3A_93 = tpu.memref_slice %arg18[%add3A_52, %dma_wait3A] : memref<10240x128xf32, #tpu.memory_space<vmem_shared>> -> memref<40x128xf32, #tpu.memory_space<vmem_shared>>
      %dma_wait3A_94 = arith.constant 0 : i32
      %dma_wait3A_95 = tpu.memref_slice %arg18[%add3A_52, %dma_wait3A_94] : memref<10240x128xf32, #tpu.memory_space<vmem_shared>> -> memref<40x128xf32, #tpu.memory_space<vmem_shared>>
      tpu.wait_dma2 semaphore(%run_scoped3A_88 : memref<!tpu.dma_semaphore, #tpu.memory_space<semaphore_mem>>) src(%arg8 : memref<40x128xf32, #tpu.memory_space<vmem>>) dst(%dma_wait3A_95 : memref<40x128xf32, #tpu.memory_space<vmem_shared>>)
      tpu.yield
    }) : () -> ()
    %add3A_53 = arith.constant 320 : i32
    %add3A_54 = arith.addi %mul3A_2, %add3A_53 : i32
    "tpu.region"() ({
      %run_scoped3A_88 = tpu.sem_alloc : memref<!tpu.dma_semaphore, #tpu.memory_space<semaphore_mem>>
      %dma_start3A_89 = arith.constant 0 : i32
      %dma_start3A_90 = tpu.memref_slice %arg18[%add3A_54, %dma_start3A_89] : memref<10240x128xf32, #tpu.memory_space<vmem_shared>> -> memref<40x128xf32, #tpu.memory_space<vmem_shared>>
      %dma_start3A_91 = arith.constant 0 : i32
      %dma_start3A_92 = tpu.memref_slice %arg18[%add3A_54, %dma_start3A_91] : memref<10240x128xf32, #tpu.memory_space<vmem_shared>> -> memref<40x128xf32, #tpu.memory_space<vmem_shared>>
      tpu.enqueue_dma source(%arg8 : memref<40x128xf32, #tpu.memory_space<vmem>>) target(%dma_start3A_92 : memref<40x128xf32, #tpu.memory_space<vmem_shared>>) target_semaphore(%run_scoped3A_88 : memref<!tpu.dma_semaphore, #tpu.memory_space<semaphore_mem>>)
      %dma_wait3A = arith.constant 0 : i32
      %dma_wait3A_93 = tpu.memref_slice %arg18[%add3A_54, %dma_wait3A] : memref<10240x128xf32, #tpu.memory_space<vmem_shared>> -> memref<40x128xf32, #tpu.memory_space<vmem_shared>>
      %dma_wait3A_94 = arith.constant 0 : i32
      %dma_wait3A_95 = tpu.memref_slice %arg18[%add3A_54, %dma_wait3A_94] : memref<10240x128xf32, #tpu.memory_space<vmem_shared>> -> memref<40x128xf32, #tpu.memory_space<vmem_shared>>
      tpu.wait_dma2 semaphore(%run_scoped3A_88 : memref<!tpu.dma_semaphore, #tpu.memory_space<semaphore_mem>>) src(%arg8 : memref<40x128xf32, #tpu.memory_space<vmem>>) dst(%dma_wait3A_95 : memref<40x128xf32, #tpu.memory_space<vmem_shared>>)
      tpu.yield
    }) : () -> ()
    %add3A_55 = arith.constant 360 : i32
    %add3A_56 = arith.addi %mul3A_2, %add3A_55 : i32
    "tpu.region"() ({
      %run_scoped3A_88 = tpu.sem_alloc : memref<!tpu.dma_semaphore, #tpu.memory_space<semaphore_mem>>
      %dma_start3A_89 = arith.constant 0 : i32
      %dma_start3A_90 = tpu.memref_slice %arg18[%add3A_56, %dma_start3A_89] : memref<10240x128xf32, #tpu.memory_space<vmem_shared>> -> memref<40x128xf32, #tpu.memory_space<vmem_shared>>
      %dma_start3A_91 = arith.constant 0 : i32
      %dma_start3A_92 = tpu.memref_slice %arg18[%add3A_56, %dma_start3A_91] : memref<10240x128xf32, #tpu.memory_space<vmem_shared>> -> memref<40x128xf32, #tpu.memory_space<vmem_shared>>
      tpu.enqueue_dma source(%arg8 : memref<40x128xf32, #tpu.memory_space<vmem>>) target(%dma_start3A_92 : memref<40x128xf32, #tpu.memory_space<vmem_shared>>) target_semaphore(%run_scoped3A_88 : memref<!tpu.dma_semaphore, #tpu.memory_space<semaphore_mem>>)
      %dma_wait3A = arith.constant 0 : i32
      %dma_wait3A_93 = tpu.memref_slice %arg18[%add3A_56, %dma_wait3A] : memref<10240x128xf32, #tpu.memory_space<vmem_shared>> -> memref<40x128xf32, #tpu.memory_space<vmem_shared>>
      %dma_wait3A_94 = arith.constant 0 : i32
      %dma_wait3A_95 = tpu.memref_slice %arg18[%add3A_56, %dma_wait3A_94] : memref<10240x128xf32, #tpu.memory_space<vmem_shared>> -> memref<40x128xf32, #tpu.memory_space<vmem_shared>>
      tpu.wait_dma2 semaphore(%run_scoped3A_88 : memref<!tpu.dma_semaphore, #tpu.memory_space<semaphore_mem>>) src(%arg8 : memref<40x128xf32, #tpu.memory_space<vmem>>) dst(%dma_wait3A_95 : memref<40x128xf32, #tpu.memory_space<vmem_shared>>)
      tpu.yield
    }) : () -> ()
    %add3A_57 = arith.constant 400 : i32
    %add3A_58 = arith.addi %mul3A_2, %add3A_57 : i32
    "tpu.region"() ({
      %run_scoped3A_88 = tpu.sem_alloc : memref<!tpu.dma_semaphore, #tpu.memory_space<semaphore_mem>>
      %dma_start3A_89 = arith.constant 0 : i32
      %dma_start3A_90 = tpu.memref_slice %arg18[%add3A_58, %dma_start3A_89] : memref<10240x128xf32, #tpu.memory_space<vmem_shared>> -> memref<40x128xf32, #tpu.memory_space<vmem_shared>>
      %dma_start3A_91 = arith.constant 0 : i32
      %dma_start3A_92 = tpu.memref_slice %arg18[%add3A_58, %dma_start3A_91] : memref<10240x128xf32, #tpu.memory_space<vmem_shared>> -> memref<40x128xf32, #tpu.memory_space<vmem_shared>>
      tpu.enqueue_dma source(%arg8 : memref<40x128xf32, #tpu.memory_space<vmem>>) target(%dma_start3A_92 : memref<40x128xf32, #tpu.memory_space<vmem_shared>>) target_semaphore(%run_scoped3A_88 : memref<!tpu.dma_semaphore, #tpu.memory_space<semaphore_mem>>)
      %dma_wait3A = arith.constant 0 : i32
      %dma_wait3A_93 = tpu.memref_slice %arg18[%add3A_58, %dma_wait3A] : memref<10240x128xf32, #tpu.memory_space<vmem_shared>> -> memref<40x128xf32, #tpu.memory_space<vmem_shared>>
      %dma_wait3A_94 = arith.constant 0 : i32
      %dma_wait3A_95 = tpu.memref_slice %arg18[%add3A_58, %dma_wait3A_94] : memref<10240x128xf32, #tpu.memory_space<vmem_shared>> -> memref<40x128xf32, #tpu.memory_space<vmem_shared>>
      tpu.wait_dma2 semaphore(%run_scoped3A_88 : memref<!tpu.dma_semaphore, #tpu.memory_space<semaphore_mem>>) src(%arg8 : memref<40x128xf32, #tpu.memory_space<vmem>>) dst(%dma_wait3A_95 : memref<40x128xf32, #tpu.memory_space<vmem_shared>>)
      tpu.yield
    }) : () -> ()
    %add3A_59 = arith.constant 440 : i32
    %add3A_60 = arith.addi %mul3A_2, %add3A_59 : i32
    "tpu.region"() ({
      %run_scoped3A_88 = tpu.sem_alloc : memref<!tpu.dma_semaphore, #tpu.memory_space<semaphore_mem>>
      %dma_start3A_89 = arith.constant 0 : i32
      %dma_start3A_90 = tpu.memref_slice %arg18[%add3A_60, %dma_start3A_89] : memref<10240x128xf32, #tpu.memory_space<vmem_shared>> -> memref<40x128xf32, #tpu.memory_space<vmem_shared>>
      %dma_start3A_91 = arith.constant 0 : i32
      %dma_start3A_92 = tpu.memref_slice %arg18[%add3A_60, %dma_start3A_91] : memref<10240x128xf32, #tpu.memory_space<vmem_shared>> -> memref<40x128xf32, #tpu.memory_space<vmem_shared>>
      tpu.enqueue_dma source(%arg8 : memref<40x128xf32, #tpu.memory_space<vmem>>) target(%dma_start3A_92 : memref<40x128xf32, #tpu.memory_space<vmem_shared>>) target_semaphore(%run_scoped3A_88 : memref<!tpu.dma_semaphore, #tpu.memory_space<semaphore_mem>>)
      %dma_wait3A = arith.constant 0 : i32
      %dma_wait3A_93 = tpu.memref_slice %arg18[%add3A_60, %dma_wait3A] : memref<10240x128xf32, #tpu.memory_space<vmem_shared>> -> memref<40x128xf32, #tpu.memory_space<vmem_shared>>
      %dma_wait3A_94 = arith.constant 0 : i32
      %dma_wait3A_95 = tpu.memref_slice %arg18[%add3A_60, %dma_wait3A_94] : memref<10240x128xf32, #tpu.memory_space<vmem_shared>> -> memref<40x128xf32, #tpu.memory_space<vmem_shared>>
      tpu.wait_dma2 semaphore(%run_scoped3A_88 : memref<!tpu.dma_semaphore, #tpu.memory_space<semaphore_mem>>) src(%arg8 : memref<40x128xf32, #tpu.memory_space<vmem>>) dst(%dma_wait3A_95 : memref<40x128xf32, #tpu.memory_space<vmem_shared>>)
      tpu.yield
    }) : () -> ()
    %add3A_61 = arith.constant 480 : i32
    %add3A_62 = arith.addi %mul3A_2, %add3A_61 : i32
    "tpu.region"() ({
      %run_scoped3A_88 = tpu.sem_alloc : memref<!tpu.dma_semaphore, #tpu.memory_space<semaphore_mem>>
      %dma_start3A_89 = arith.constant 0 : i32
      %dma_start3A_90 = tpu.memref_slice %arg18[%add3A_62, %dma_start3A_89] : memref<10240x128xf32, #tpu.memory_space<vmem_shared>> -> memref<40x128xf32, #tpu.memory_space<vmem_shared>>
      %dma_start3A_91 = arith.constant 0 : i32
      %dma_start3A_92 = tpu.memref_slice %arg18[%add3A_62, %dma_start3A_91] : memref<10240x128xf32, #tpu.memory_space<vmem_shared>> -> memref<40x128xf32, #tpu.memory_space<vmem_shared>>
      tpu.enqueue_dma source(%arg8 : memref<40x128xf32, #tpu.memory_space<vmem>>) target(%dma_start3A_92 : memref<40x128xf32, #tpu.memory_space<vmem_shared>>) target_semaphore(%run_scoped3A_88 : memref<!tpu.dma_semaphore, #tpu.memory_space<semaphore_mem>>)
      %dma_wait3A = arith.constant 0 : i32
      %dma_wait3A_93 = tpu.memref_slice %arg18[%add3A_62, %dma_wait3A] : memref<10240x128xf32, #tpu.memory_space<vmem_shared>> -> memref<40x128xf32, #tpu.memory_space<vmem_shared>>
      %dma_wait3A_94 = arith.constant 0 : i32
      %dma_wait3A_95 = tpu.memref_slice %arg18[%add3A_62, %dma_wait3A_94] : memref<10240x128xf32, #tpu.memory_space<vmem_shared>> -> memref<40x128xf32, #tpu.memory_space<vmem_shared>>
      tpu.wait_dma2 semaphore(%run_scoped3A_88 : memref<!tpu.dma_semaphore, #tpu.memory_space<semaphore_mem>>) src(%arg8 : memref<40x128xf32, #tpu.memory_space<vmem>>) dst(%dma_wait3A_95 : memref<40x128xf32, #tpu.memory_space<vmem_shared>>)
      tpu.yield
    }) : () -> ()
    %add3A_63 = arith.constant 520 : i32
    %add3A_64 = arith.addi %mul3A_2, %add3A_63 : i32
    "tpu.region"() ({
      %run_scoped3A_88 = tpu.sem_alloc : memref<!tpu.dma_semaphore, #tpu.memory_space<semaphore_mem>>
      %dma_start3A_89 = arith.constant 0 : i32
      %dma_start3A_90 = tpu.memref_slice %arg18[%add3A_64, %dma_start3A_89] : memref<10240x128xf32, #tpu.memory_space<vmem_shared>> -> memref<40x128xf32, #tpu.memory_space<vmem_shared>>
      %dma_start3A_91 = arith.constant 0 : i32
      %dma_start3A_92 = tpu.memref_slice %arg18[%add3A_64, %dma_start3A_91] : memref<10240x128xf32, #tpu.memory_space<vmem_shared>> -> memref<40x128xf32, #tpu.memory_space<vmem_shared>>
      tpu.enqueue_dma source(%arg8 : memref<40x128xf32, #tpu.memory_space<vmem>>) target(%dma_start3A_92 : memref<40x128xf32, #tpu.memory_space<vmem_shared>>) target_semaphore(%run_scoped3A_88 : memref<!tpu.dma_semaphore, #tpu.memory_space<semaphore_mem>>)
      %dma_wait3A = arith.constant 0 : i32
      %dma_wait3A_93 = tpu.memref_slice %arg18[%add3A_64, %dma_wait3A] : memref<10240x128xf32, #tpu.memory_space<vmem_shared>> -> memref<40x128xf32, #tpu.memory_space<vmem_shared>>
      %dma_wait3A_94 = arith.constant 0 : i32
      %dma_wait3A_95 = tpu.memref_slice %arg18[%add3A_64, %dma_wait3A_94] : memref<10240x128xf32, #tpu.memory_space<vmem_shared>> -> memref<40x128xf32, #tpu.memory_space<vmem_shared>>
      tpu.wait_dma2 semaphore(%run_scoped3A_88 : memref<!tpu.dma_semaphore, #tpu.memory_space<semaphore_mem>>) src(%arg8 : memref<40x128xf32, #tpu.memory_space<vmem>>) dst(%dma_wait3A_95 : memref<40x128xf32, #tpu.memory_space<vmem_shared>>)
      tpu.yield
    }) : () -> ()
    %add3A_65 = arith.constant 560 : i32
    %add3A_66 = arith.addi %mul3A_2, %add3A_65 : i32
    "tpu.region"() ({
      %run_scoped3A_88 = tpu.sem_alloc : memref<!tpu.dma_semaphore, #tpu.memory_space<semaphore_mem>>
      %dma_start3A_89 = arith.constant 0 : i32
      %dma_start3A_90 = tpu.memref_slice %arg18[%add3A_66, %dma_start3A_89] : memref<10240x128xf32, #tpu.memory_space<vmem_shared>> -> memref<40x128xf32, #tpu.memory_space<vmem_shared>>
      %dma_start3A_91 = arith.constant 0 : i32
      %dma_start3A_92 = tpu.memref_slice %arg18[%add3A_66, %dma_start3A_91] : memref<10240x128xf32, #tpu.memory_space<vmem_shared>> -> memref<40x128xf32, #tpu.memory_space<vmem_shared>>
      tpu.enqueue_dma source(%arg8 : memref<40x128xf32, #tpu.memory_space<vmem>>) target(%dma_start3A_92 : memref<40x128xf32, #tpu.memory_space<vmem_shared>>) target_semaphore(%run_scoped3A_88 : memref<!tpu.dma_semaphore, #tpu.memory_space<semaphore_mem>>)
      %dma_wait3A = arith.constant 0 : i32
      %dma_wait3A_93 = tpu.memref_slice %arg18[%add3A_66, %dma_wait3A] : memref<10240x128xf32, #tpu.memory_space<vmem_shared>> -> memref<40x128xf32, #tpu.memory_space<vmem_shared>>
      %dma_wait3A_94 = arith.constant 0 : i32
      %dma_wait3A_95 = tpu.memref_slice %arg18[%add3A_66, %dma_wait3A_94] : memref<10240x128xf32, #tpu.memory_space<vmem_shared>> -> memref<40x128xf32, #tpu.memory_space<vmem_shared>>
      tpu.wait_dma2 semaphore(%run_scoped3A_88 : memref<!tpu.dma_semaphore, #tpu.memory_space<semaphore_mem>>) src(%arg8 : memref<40x128xf32, #tpu.memory_space<vmem>>) dst(%dma_wait3A_95 : memref<40x128xf32, #tpu.memory_space<vmem_shared>>)
      tpu.yield
    }) : () -> ()
    %add3A_67 = arith.constant 600 : i32
    %add3A_68 = arith.addi %mul3A_2, %add3A_67 : i32
    "tpu.region"() ({
      %run_scoped3A_88 = tpu.sem_alloc : memref<!tpu.dma_semaphore, #tpu.memory_space<semaphore_mem>>
      %dma_start3A_89 = arith.constant 0 : i32
      %dma_start3A_90 = tpu.memref_slice %arg18[%add3A_68, %dma_start3A_89] : memref<10240x128xf32, #tpu.memory_space<vmem_shared>> -> memref<40x128xf32, #tpu.memory_space<vmem_shared>>
      %dma_start3A_91 = arith.constant 0 : i32
      %dma_start3A_92 = tpu.memref_slice %arg18[%add3A_68, %dma_start3A_91] : memref<10240x128xf32, #tpu.memory_space<vmem_shared>> -> memref<40x128xf32, #tpu.memory_space<vmem_shared>>
      tpu.enqueue_dma source(%arg8 : memref<40x128xf32, #tpu.memory_space<vmem>>) target(%dma_start3A_92 : memref<40x128xf32, #tpu.memory_space<vmem_shared>>) target_semaphore(%run_scoped3A_88 : memref<!tpu.dma_semaphore, #tpu.memory_space<semaphore_mem>>)
      %dma_wait3A = arith.constant 0 : i32
      %dma_wait3A_93 = tpu.memref_slice %arg18[%add3A_68, %dma_wait3A] : memref<10240x128xf32, #tpu.memory_space<vmem_shared>> -> memref<40x128xf32, #tpu.memory_space<vmem_shared>>
      %dma_wait3A_94 = arith.constant 0 : i32
      %dma_wait3A_95 = tpu.memref_slice %arg18[%add3A_68, %dma_wait3A_94] : memref<10240x128xf32, #tpu.memory_space<vmem_shared>> -> memref<40x128xf32, #tpu.memory_space<vmem_shared>>
      tpu.wait_dma2 semaphore(%run_scoped3A_88 : memref<!tpu.dma_semaphore, #tpu.memory_space<semaphore_mem>>) src(%arg8 : memref<40x128xf32, #tpu.memory_space<vmem>>) dst(%dma_wait3A_95 : memref<40x128xf32, #tpu.memory_space<vmem_shared>>)
      tpu.yield
    }) : () -> ()
    %dma_start3A_69 = arith.constant 0 : i32
    %dma_start3A_70 = arith.constant 0 : i32
    %dma_start3A_71 = tpu.memref_slice %arg6[%dma_start3A_69, %dma_start3A_70] : memref<50x40xi32, #tpu.memory_space<vmem>> -> memref<1x40xi32, #tpu.memory_space<vmem>>
    %dma_start3A_72 = tpu.memref_squeeze %dma_start3A_71 : memref<1x40xi32, #tpu.memory_space<vmem>> -> memref<40xi32, #tpu.memory_space<vmem>>
    %dma_start3A_73 = arith.constant 0 : i32
    %dma_start3A_74 = arith.constant 0 : i32
    %dma_start3A_75 = tpu.memref_slice %arg2[%dma_start3A_73, %dma_start3A_74] : memref<10240x128xf32, #tpu.memory_space<hbm>> -> memref<10240x128xf32, #tpu.memory_space<hbm>>
    tpu.enqueue_indirect_dma source(%dma_start3A_75 : memref<10240x128xf32, #tpu.memory_space<hbm>>) target(%arg8 : memref<40x128xf32, #tpu.memory_space<vmem>>) offsets(%dma_start3A_72 : memref<40xi32, #tpu.memory_space<vmem>>) semaphore(%arg13 : memref<!tpu.dma_semaphore, #tpu.memory_space<semaphore_mem>>)
    %barrier3A = arith.constant 0 : index
    tpu.barrier barrier_id(%barrier3A)
    %scan3A_76 = arith.constant 0 : i32
    %scan3A_77 = arith.constant 0 : i32
    %scan3A_78 = arith.constant 5 : i32
    %scan3A_79 = arith.addi %scan3A_77, %scan3A_78 : i32
    %scan3A_80 = arith.constant 1 : i32
    %scan3A_81 = scf.for %scan3A_88 = %scan3A_77 to %scan3A_79 step %scan3A_80 iter_args(%scan3A_89 = %scan3A_76) -> (i32)  : i32 {
      %ne3A = arith.constant 0 : i32
      %ne3A_90 = arith.cmpi ne, %scan3A_88, %ne3A : i32
      %convert_element_type3A = arith.extui %ne3A_90 : i1 to i32
      %cond3A = arith.constant 0 : i32
      %cond3A_91 = arith.cmpi ne, %convert_element_type3A, %cond3A : i32
      scf.if %cond3A_91 {
        "tpu.region"() ({
          %run_scoped3A_135 = tpu.sem_alloc : memref<!tpu.dma_semaphore, #tpu.memory_space<semaphore_mem>>
          %dma_start3A_136 = arith.constant 0 : i32
          %dma_start3A_137 = arith.constant 0 : i32
          %dma_start3A_138 = tpu.memref_slice %arg3[%add3A, %scan3A_88, %dma_start3A_136, %dma_start3A_137] : memref<32x5x50x40xi32, #tpu.memory_space<hbm>> -> memref<1x1x50x40xi32, #tpu.memory_space<hbm>>
          %dma_start3A_139 = tpu.memref_squeeze %dma_start3A_138 : memref<1x1x50x40xi32, #tpu.memory_space<hbm>> -> memref<50x40xi32, #tpu.memory_space<hbm>>
          %dma_start3A_140 = arith.constant 0 : i32
          %dma_start3A_141 = arith.constant 0 : i32
          %dma_start3A_142 = tpu.memref_slice %arg3[%add3A, %scan3A_88, %dma_start3A_140, %dma_start3A_141] : memref<32x5x50x40xi32, #tpu.memory_space<hbm>> -> memref<1x1x50x40xi32, #tpu.memory_space<hbm>>
          %dma_start3A_143 = tpu.memref_squeeze %dma_start3A_142 : memref<1x1x50x40xi32, #tpu.memory_space<hbm>> -> memref<50x40xi32, #tpu.memory_space<hbm>>
          tpu.enqueue_dma source(%dma_start3A_143 : memref<50x40xi32, #tpu.memory_space<hbm>>) target(%arg6 : memref<50x40xi32, #tpu.memory_space<vmem>>) target_semaphore(%run_scoped3A_135 : memref<!tpu.dma_semaphore, #tpu.memory_space<semaphore_mem>>)
          %dma_wait3A = arith.constant 0 : i32
          %dma_wait3A_144 = arith.constant 0 : i32
          %dma_wait3A_145 = tpu.memref_slice %arg3[%add3A, %scan3A_88, %dma_wait3A, %dma_wait3A_144] : memref<32x5x50x40xi32, #tpu.memory_space<hbm>> -> memref<1x1x50x40xi32, #tpu.memory_space<hbm>>
          %dma_wait3A_146 = tpu.memref_squeeze %dma_wait3A_145 : memref<1x1x50x40xi32, #tpu.memory_space<hbm>> -> memref<50x40xi32, #tpu.memory_space<hbm>>
          %dma_wait3A_147 = arith.constant 0 : i32
          %dma_wait3A_148 = arith.constant 0 : i32
          %dma_wait3A_149 = tpu.memref_slice %arg3[%add3A, %scan3A_88, %dma_wait3A_147, %dma_wait3A_148] : memref<32x5x50x40xi32, #tpu.memory_space<hbm>> -> memref<1x1x50x40xi32, #tpu.memory_space<hbm>>
          %dma_wait3A_150 = tpu.memref_squeeze %dma_wait3A_149 : memref<1x1x50x40xi32, #tpu.memory_space<hbm>> -> memref<50x40xi32, #tpu.memory_space<hbm>>
          tpu.wait_dma2 semaphore(%run_scoped3A_135 : memref<!tpu.dma_semaphore, #tpu.memory_space<semaphore_mem>>) src(%dma_wait3A_150 : memref<50x40xi32, #tpu.memory_space<hbm>>) dst(%arg6 : memref<50x40xi32, #tpu.memory_space<vmem>>)
          tpu.yield
        }) : () -> ()
        "tpu.region"() ({
          %run_scoped3A_135 = tpu.sem_alloc : memref<!tpu.dma_semaphore, #tpu.memory_space<semaphore_mem>>
          %dma_start3A_136 = arith.constant 0 : i32
          %dma_start3A_137 = arith.constant 0 : i32
          %dma_start3A_138 = tpu.memref_slice %arg4[%add3A, %scan3A_88, %dma_start3A_136, %dma_start3A_137] : memref<32x5x50x40xi32, #tpu.memory_space<hbm>> -> memref<1x1x50x40xi32, #tpu.memory_space<hbm>>
          %dma_start3A_139 = tpu.memref_squeeze %dma_start3A_138 : memref<1x1x50x40xi32, #tpu.memory_space<hbm>> -> memref<50x40xi32, #tpu.memory_space<hbm>>
          %dma_start3A_140 = arith.constant 0 : i32
          %dma_start3A_141 = arith.constant 0 : i32
          %dma_start3A_142 = tpu.memref_slice %arg4[%add3A, %scan3A_88, %dma_start3A_140, %dma_start3A_141] : memref<32x5x50x40xi32, #tpu.memory_space<hbm>> -> memref<1x1x50x40xi32, #tpu.memory_space<hbm>>
          %dma_start3A_143 = tpu.memref_squeeze %dma_start3A_142 : memref<1x1x50x40xi32, #tpu.memory_space<hbm>> -> memref<50x40xi32, #tpu.memory_space<hbm>>
          tpu.enqueue_dma source(%dma_start3A_143 : memref<50x40xi32, #tpu.memory_space<hbm>>) target(%arg7 : memref<50x40xi32, #tpu.memory_space<vmem>>) target_semaphore(%run_scoped3A_135 : memref<!tpu.dma_semaphore, #tpu.memory_space<semaphore_mem>>)
          %dma_wait3A = arith.constant 0 : i32
          %dma_wait3A_144 = arith.constant 0 : i32
          %dma_wait3A_145 = tpu.memref_slice %arg4[%add3A, %scan3A_88, %dma_wait3A, %dma_wait3A_144] : memref<32x5x50x40xi32, #tpu.memory_space<hbm>> -> memref<1x1x50x40xi32, #tpu.memory_space<hbm>>
          %dma_wait3A_146 = tpu.memref_squeeze %dma_wait3A_145 : memref<1x1x50x40xi32, #tpu.memory_space<hbm>> -> memref<50x40xi32, #tpu.memory_space<hbm>>
          %dma_wait3A_147 = arith.constant 0 : i32
          %dma_wait3A_148 = arith.constant 0 : i32
          %dma_wait3A_149 = tpu.memref_slice %arg4[%add3A, %scan3A_88, %dma_wait3A_147, %dma_wait3A_148] : memref<32x5x50x40xi32, #tpu.memory_space<hbm>> -> memref<1x1x50x40xi32, #tpu.memory_space<hbm>>
          %dma_wait3A_150 = tpu.memref_squeeze %dma_wait3A_149 : memref<1x1x50x40xi32, #tpu.memory_space<hbm>> -> memref<50x40xi32, #tpu.memory_space<hbm>>
          tpu.wait_dma2 semaphore(%run_scoped3A_135 : memref<!tpu.dma_semaphore, #tpu.memory_space<semaphore_mem>>) src(%dma_wait3A_150 : memref<50x40xi32, #tpu.memory_space<hbm>>) dst(%arg7 : memref<50x40xi32, #tpu.memory_space<vmem>>)
          tpu.yield
        }) : () -> ()
        %dma_start3A_100 = arith.constant 0 : i32
        %dma_start3A_101 = arith.constant 0 : i32
        %dma_start3A_102 = tpu.memref_slice %arg6[%dma_start3A_100, %dma_start3A_101] : memref<50x40xi32, #tpu.memory_space<vmem>> -> memref<1x40xi32, #tpu.memory_space<vmem>>
        %dma_start3A_103 = tpu.memref_squeeze %dma_start3A_102 : memref<1x40xi32, #tpu.memory_space<vmem>> -> memref<40xi32, #tpu.memory_space<vmem>>
        %dma_start3A_104 = arith.constant 0 : i32
        %dma_start3A_105 = arith.constant 0 : i32
        %dma_start3A_106 = tpu.memref_slice %arg2[%dma_start3A_104, %dma_start3A_105] : memref<10240x128xf32, #tpu.memory_space<hbm>> -> memref<10240x128xf32, #tpu.memory_space<hbm>>
        tpu.enqueue_indirect_dma source(%dma_start3A_106 : memref<10240x128xf32, #tpu.memory_space<hbm>>) target(%arg8 : memref<40x128xf32, #tpu.memory_space<vmem>>) offsets(%dma_start3A_103 : memref<40xi32, #tpu.memory_space<vmem>>) semaphore(%arg13 : memref<!tpu.dma_semaphore, #tpu.memory_space<semaphore_mem>>)
        %dma_start3A_107 = arith.constant 1 : i32
        %dma_start3A_108 = arith.constant 0 : i32
        %dma_start3A_109 = tpu.memref_slice %arg6[%dma_start3A_107, %dma_start3A_108] : memref<50x40xi32, #tpu.memory_space<vmem>> -> memref<1x40xi32, #tpu.memory_space<vmem>>
        %dma_start3A_110 = tpu.memref_squeeze %dma_start3A_109 : memref<1x40xi32, #tpu.memory_space<vmem>> -> memref<40xi32, #tpu.memory_space<vmem>>
        %dma_start3A_111 = arith.constant 0 : i32
        %dma_start3A_112 = arith.constant 0 : i32
        %dma_start3A_113 = tpu.memref_slice %arg2[%dma_start3A_111, %dma_start3A_112] : memref<10240x128xf32, #tpu.memory_space<hbm>> -> memref<10240x128xf32, #tpu.memory_space<hbm>>
        tpu.enqueue_indirect_dma source(%dma_start3A_113 : memref<10240x128xf32, #tpu.memory_space<hbm>>) target(%arg9 : memref<40x128xf32, #tpu.memory_space<vmem>>) offsets(%dma_start3A_110 : memref<40xi32, #tpu.memory_space<vmem>>) semaphore(%arg14 : memref<!tpu.dma_semaphore, #tpu.memory_space<semaphore_mem>>)
        %dma_start3A_114 = arith.constant 2 : i32
        %dma_start3A_115 = arith.constant 0 : i32
        %dma_start3A_116 = tpu.memref_slice %arg6[%dma_start3A_114, %dma_start3A_115] : memref<50x40xi32, #tpu.memory_space<vmem>> -> memref<1x40xi32, #tpu.memory_space<vmem>>
        %dma_start3A_117 = tpu.memref_squeeze %dma_start3A_116 : memref<1x40xi32, #tpu.memory_space<vmem>> -> memref<40xi32, #tpu.memory_space<vmem>>
        %dma_start3A_118 = arith.constant 0 : i32
        %dma_start3A_119 = arith.constant 0 : i32
        %dma_start3A_120 = tpu.memref_slice %arg2[%dma_start3A_118, %dma_start3A_119] : memref<10240x128xf32, #tpu.memory_space<hbm>> -> memref<10240x128xf32, #tpu.memory_space<hbm>>
        tpu.enqueue_indirect_dma source(%dma_start3A_120 : memref<10240x128xf32, #tpu.memory_space<hbm>>) target(%arg10 : memref<40x128xf32, #tpu.memory_space<vmem>>) offsets(%dma_start3A_117 : memref<40xi32, #tpu.memory_space<vmem>>) semaphore(%arg15 : memref<!tpu.dma_semaphore, #tpu.memory_space<semaphore_mem>>)
        %dma_start3A_121 = arith.constant 3 : i32
        %dma_start3A_122 = arith.constant 0 : i32
        %dma_start3A_123 = tpu.memref_slice %arg6[%dma_start3A_121, %dma_start3A_122] : memref<50x40xi32, #tpu.memory_space<vmem>> -> memref<1x40xi32, #tpu.memory_space<vmem>>
        %dma_start3A_124 = tpu.memref_squeeze %dma_start3A_123 : memref<1x40xi32, #tpu.memory_space<vmem>> -> memref<40xi32, #tpu.memory_space<vmem>>
        %dma_start3A_125 = arith.constant 0 : i32
        %dma_start3A_126 = arith.constant 0 : i32
        %dma_start3A_127 = tpu.memref_slice %arg2[%dma_start3A_125, %dma_start3A_126] : memref<10240x128xf32, #tpu.memory_space<hbm>> -> memref<10240x128xf32, #tpu.memory_space<hbm>>
        tpu.enqueue_indirect_dma source(%dma_start3A_127 : memref<10240x128xf32, #tpu.memory_space<hbm>>) target(%arg11 : memref<40x128xf32, #tpu.memory_space<vmem>>) offsets(%dma_start3A_124 : memref<40xi32, #tpu.memory_space<vmem>>) semaphore(%arg16 : memref<!tpu.dma_semaphore, #tpu.memory_space<semaphore_mem>>)
        %dma_start3A_128 = arith.constant 4 : i32
        %dma_start3A_129 = arith.constant 0 : i32
        %dma_start3A_130 = tpu.memref_slice %arg6[%dma_start3A_128, %dma_start3A_129] : memref<50x40xi32, #tpu.memory_space<vmem>> -> memref<1x40xi32, #tpu.memory_space<vmem>>
        %dma_start3A_131 = tpu.memref_squeeze %dma_start3A_130 : memref<1x40xi32, #tpu.memory_space<vmem>> -> memref<40xi32, #tpu.memory_space<vmem>>
        %dma_start3A_132 = arith.constant 0 : i32
        %dma_start3A_133 = arith.constant 0 : i32
        %dma_start3A_134 = tpu.memref_slice %arg2[%dma_start3A_132, %dma_start3A_133] : memref<10240x128xf32, #tpu.memory_space<hbm>> -> memref<10240x128xf32, #tpu.memory_space<hbm>>
        tpu.enqueue_indirect_dma source(%dma_start3A_134 : memref<10240x128xf32, #tpu.memory_space<hbm>>) target(%arg12 : memref<40x128xf32, #tpu.memory_space<vmem>>) offsets(%dma_start3A_131 : memref<40xi32, #tpu.memory_space<vmem>>) semaphore(%arg17 : memref<!tpu.dma_semaphore, #tpu.memory_space<semaphore_mem>>)
      } else {
      }
      %scan3A_92 = arith.constant 0 : i32
      %scan3A_93 = arith.constant 0 : i32
      %scan3A_94 = arith.constant 10 : i32
      %scan3A_95 = arith.addi %scan3A_93, %scan3A_94 : i32
      %scan3A_96 = arith.constant 1 : i32
      %scan3A_97 = scf.for %scan3A_100 = %scan3A_93 to %scan3A_95 step %scan3A_96 iter_args(%scan3A_101 = %scan3A_92) -> (i32)  : i32 {
        %mul3A_102 = arith.constant 5 : i32
        %mul3A_103 = arith.muli %scan3A_100, %mul3A_102 : i32
        %add3A_104 = arith.constant 0 : i32
        %add3A_105 = arith.addi %mul3A_103, %add3A_104 : i32
        %dma_wait3A = arith.constant 0 : i32
        %dma_wait3A_106 = tpu.memref_slice %arg6[%add3A_105, %dma_wait3A] : memref<50x40xi32, #tpu.memory_space<vmem>> -> memref<1x40xi32, #tpu.memory_space<vmem>>
        %dma_wait3A_107 = tpu.memref_squeeze %dma_wait3A_106 : memref<1x40xi32, #tpu.memory_space<vmem>> -> memref<40xi32, #tpu.memory_space<vmem>>
        %dma_wait3A_108 = arith.constant 0 : i32
        %dma_wait3A_109 = arith.constant 0 : i32
        %dma_wait3A_110 = tpu.memref_slice %arg2[%dma_wait3A_108, %dma_wait3A_109] : memref<10240x128xf32, #tpu.memory_space<hbm>> -> memref<10240x128xf32, #tpu.memory_space<hbm>>
        tpu.wait_indirect_dma semaphore(%arg13 : memref<!tpu.dma_semaphore, #tpu.memory_space<semaphore_mem>>) src(%dma_wait3A_110 : memref<10240x128xf32, #tpu.memory_space<hbm>>) dst(%arg8 : memref<40x128xf32, #tpu.memory_space<vmem>>)
        "tpu.region"() ({
          %run_scoped3A_186 = tpu.sem_alloc : memref<!tpu.dma_semaphore, #tpu.memory_space<semaphore_mem>>
          %dma_start3A_187 = arith.constant 0 : i32
          %dma_start3A_188 = tpu.memref_slice %arg7[%add3A_105, %dma_start3A_187] : memref<50x40xi32, #tpu.memory_space<vmem>> -> memref<1x40xi32, #tpu.memory_space<vmem>>
          %dma_start3A_189 = tpu.memref_squeeze %dma_start3A_188 : memref<1x40xi32, #tpu.memory_space<vmem>> -> memref<40xi32, #tpu.memory_space<vmem>>
          %dma_start3A_190 = arith.constant 0 : i32
          %dma_start3A_191 = arith.constant 0 : i32
          %dma_start3A_192 = tpu.memref_slice %arg18[%dma_start3A_190, %dma_start3A_191] : memref<10240x128xf32, #tpu.memory_space<vmem_shared>> -> memref<10240x128xf32, #tpu.memory_space<vmem_shared>>
          tpu.enqueue_indirect_dma source(%arg8 : memref<40x128xf32, #tpu.memory_space<vmem>>) target(%dma_start3A_192 : memref<10240x128xf32, #tpu.memory_space<vmem_shared>>) offsets(%dma_start3A_189 : memref<40xi32, #tpu.memory_space<vmem>>) semaphore(%run_scoped3A_186 : memref<!tpu.dma_semaphore, #tpu.memory_space<semaphore_mem>>) {add = true}
          %dma_wait3A_193 = arith.constant 0 : i32
          %dma_wait3A_194 = tpu.memref_slice %arg7[%add3A_105, %dma_wait3A_193] : memref<50x40xi32, #tpu.memory_space<vmem>> -> memref<1x40xi32, #tpu.memory_space<vmem>>
          %dma_wait3A_195 = tpu.memref_squeeze %dma_wait3A_194 : memref<1x40xi32, #tpu.memory_space<vmem>> -> memref<40xi32, #tpu.memory_space<vmem>>
          %dma_wait3A_196 = arith.constant 0 : i32
          %dma_wait3A_197 = arith.constant 0 : i32
          %dma_wait3A_198 = tpu.memref_slice %arg18[%dma_wait3A_196, %dma_wait3A_197] : memref<10240x128xf32, #tpu.memory_space<vmem_shared>> -> memref<10240x128xf32, #tpu.memory_space<vmem_shared>>
          tpu.wait_indirect_dma semaphore(%run_scoped3A_186 : memref<!tpu.dma_semaphore, #tpu.memory_space<semaphore_mem>>) src(%arg8 : memref<40x128xf32, #tpu.memory_space<vmem>>) dst(%dma_wait3A_198 : memref<10240x128xf32, #tpu.memory_space<vmem_shared>>)
          tpu.yield
        }) : () -> ()
        %add3A_111 = arith.constant 5 : i32
        %add3A_112 = arith.addi %add3A_105, %add3A_111 : i32
        %lt3A = arith.constant 50 : i32
        %lt3A_113 = arith.cmpi slt, %add3A_112, %lt3A : i32
        %convert_element_type3A_114 = arith.extui %lt3A_113 : i1 to i32
        %cond3A_115 = arith.constant 0 : i32
        %cond3A_116 = arith.cmpi ne, %convert_element_type3A_114, %cond3A_115 : i32
        scf.if %cond3A_116 {
          %dma_start3A_186 = arith.constant 0 : i32
          %dma_start3A_187 = tpu.memref_slice %arg6[%add3A_112, %dma_start3A_186] : memref<50x40xi32, #tpu.memory_space<vmem>> -> memref<1x40xi32, #tpu.memory_space<vmem>>
          %dma_start3A_188 = tpu.memref_squeeze %dma_start3A_187 : memref<1x40xi32, #tpu.memory_space<vmem>> -> memref<40xi32, #tpu.memory_space<vmem>>
          %dma_start3A_189 = arith.constant 0 : i32
          %dma_start3A_190 = arith.constant 0 : i32
          %dma_start3A_191 = tpu.memref_slice %arg2[%dma_start3A_189, %dma_start3A_190] : memref<10240x128xf32, #tpu.memory_space<hbm>> -> memref<10240x128xf32, #tpu.memory_space<hbm>>
          tpu.enqueue_indirect_dma source(%dma_start3A_191 : memref<10240x128xf32, #tpu.memory_space<hbm>>) target(%arg8 : memref<40x128xf32, #tpu.memory_space<vmem>>) offsets(%dma_start3A_188 : memref<40xi32, #tpu.memory_space<vmem>>) semaphore(%arg13 : memref<!tpu.dma_semaphore, #tpu.memory_space<semaphore_mem>>)
        } else {
        }
        %mul3A_117 = arith.constant 5 : i32
        %mul3A_118 = arith.muli %scan3A_100, %mul3A_117 : i32
        %add3A_119 = arith.constant 1 : i32
        %add3A_120 = arith.addi %mul3A_118, %add3A_119 : i32
        %dma_wait3A_121 = arith.constant 0 : i32
        %dma_wait3A_122 = tpu.memref_slice %arg6[%add3A_120, %dma_wait3A_121] : memref<50x40xi32, #tpu.memory_space<vmem>> -> memref<1x40xi32, #tpu.memory_space<vmem>>
        %dma_wait3A_123 = tpu.memref_squeeze %dma_wait3A_122 : memref<1x40xi32, #tpu.memory_space<vmem>> -> memref<40xi32, #tpu.memory_space<vmem>>
        %dma_wait3A_124 = arith.constant 0 : i32
        %dma_wait3A_125 = arith.constant 0 : i32
        %dma_wait3A_126 = tpu.memref_slice %arg2[%dma_wait3A_124, %dma_wait3A_125] : memref<10240x128xf32, #tpu.memory_space<hbm>> -> memref<10240x128xf32, #tpu.memory_space<hbm>>
        tpu.wait_indirect_dma semaphore(%arg14 : memref<!tpu.dma_semaphore, #tpu.memory_space<semaphore_mem>>) src(%dma_wait3A_126 : memref<10240x128xf32, #tpu.memory_space<hbm>>) dst(%arg9 : memref<40x128xf32, #tpu.memory_space<vmem>>)
        "tpu.region"() ({
          %run_scoped3A_186 = tpu.sem_alloc : memref<!tpu.dma_semaphore, #tpu.memory_space<semaphore_mem>>
          %dma_start3A_187 = arith.constant 0 : i32
          %dma_start3A_188 = tpu.memref_slice %arg7[%add3A_120, %dma_start3A_187] : memref<50x40xi32, #tpu.memory_space<vmem>> -> memref<1x40xi32, #tpu.memory_space<vmem>>
          %dma_start3A_189 = tpu.memref_squeeze %dma_start3A_188 : memref<1x40xi32, #tpu.memory_space<vmem>> -> memref<40xi32, #tpu.memory_space<vmem>>
          %dma_start3A_190 = arith.constant 0 : i32
          %dma_start3A_191 = arith.constant 0 : i32
          %dma_start3A_192 = tpu.memref_slice %arg18[%dma_start3A_190, %dma_start3A_191] : memref<10240x128xf32, #tpu.memory_space<vmem_shared>> -> memref<10240x128xf32, #tpu.memory_space<vmem_shared>>
          tpu.enqueue_indirect_dma source(%arg9 : memref<40x128xf32, #tpu.memory_space<vmem>>) target(%dma_start3A_192 : memref<10240x128xf32, #tpu.memory_space<vmem_shared>>) offsets(%dma_start3A_189 : memref<40xi32, #tpu.memory_space<vmem>>) semaphore(%run_scoped3A_186 : memref<!tpu.dma_semaphore, #tpu.memory_space<semaphore_mem>>) {add = true}
          %dma_wait3A_193 = arith.constant 0 : i32
          %dma_wait3A_194 = tpu.memref_slice %arg7[%add3A_120, %dma_wait3A_193] : memref<50x40xi32, #tpu.memory_space<vmem>> -> memref<1x40xi32, #tpu.memory_space<vmem>>
          %dma_wait3A_195 = tpu.memref_squeeze %dma_wait3A_194 : memref<1x40xi32, #tpu.memory_space<vmem>> -> memref<40xi32, #tpu.memory_space<vmem>>
          %dma_wait3A_196 = arith.constant 0 : i32
          %dma_wait3A_197 = arith.constant 0 : i32
          %dma_wait3A_198 = tpu.memref_slice %arg18[%dma_wait3A_196, %dma_wait3A_197] : memref<10240x128xf32, #tpu.memory_space<vmem_shared>> -> memref<10240x128xf32, #tpu.memory_space<vmem_shared>>
          tpu.wait_indirect_dma semaphore(%run_scoped3A_186 : memref<!tpu.dma_semaphore, #tpu.memory_space<semaphore_mem>>) src(%arg9 : memref<40x128xf32, #tpu.memory_space<vmem>>) dst(%dma_wait3A_198 : memref<10240x128xf32, #tpu.memory_space<vmem_shared>>)
          tpu.yield
        }) : () -> ()
        %add3A_127 = arith.constant 5 : i32
        %add3A_128 = arith.addi %add3A_120, %add3A_127 : i32
        %lt3A_129 = arith.constant 50 : i32
        %lt3A_130 = arith.cmpi slt, %add3A_128, %lt3A_129 : i32
        %convert_element_type3A_131 = arith.extui %lt3A_130 : i1 to i32
        %cond3A_132 = arith.constant 0 : i32
        %cond3A_133 = arith.cmpi ne, %convert_element_type3A_131, %cond3A_132 : i32
        scf.if %cond3A_133 {
          %dma_start3A_186 = arith.constant 0 : i32
          %dma_start3A_187 = tpu.memref_slice %arg6[%add3A_128, %dma_start3A_186] : memref<50x40xi32, #tpu.memory_space<vmem>> -> memref<1x40xi32, #tpu.memory_space<vmem>>
          %dma_start3A_188 = tpu.memref_squeeze %dma_start3A_187 : memref<1x40xi32, #tpu.memory_space<vmem>> -> memref<40xi32, #tpu.memory_space<vmem>>
          %dma_start3A_189 = arith.constant 0 : i32
          %dma_start3A_190 = arith.constant 0 : i32
          %dma_start3A_191 = tpu.memref_slice %arg2[%dma_start3A_189, %dma_start3A_190] : memref<10240x128xf32, #tpu.memory_space<hbm>> -> memref<10240x128xf32, #tpu.memory_space<hbm>>
          tpu.enqueue_indirect_dma source(%dma_start3A_191 : memref<10240x128xf32, #tpu.memory_space<hbm>>) target(%arg9 : memref<40x128xf32, #tpu.memory_space<vmem>>) offsets(%dma_start3A_188 : memref<40xi32, #tpu.memory_space<vmem>>) semaphore(%arg14 : memref<!tpu.dma_semaphore, #tpu.memory_space<semaphore_mem>>)
        } else {
        }
        %mul3A_134 = arith.constant 5 : i32
        %mul3A_135 = arith.muli %scan3A_100, %mul3A_134 : i32
        %add3A_136 = arith.constant 2 : i32
        %add3A_137 = arith.addi %mul3A_135, %add3A_136 : i32
        %dma_wait3A_138 = arith.constant 0 : i32
        %dma_wait3A_139 = tpu.memref_slice %arg6[%add3A_137, %dma_wait3A_138] : memref<50x40xi32, #tpu.memory_space<vmem>> -> memref<1x40xi32, #tpu.memory_space<vmem>>
        %dma_wait3A_140 = tpu.memref_squeeze %dma_wait3A_139 : memref<1x40xi32, #tpu.memory_space<vmem>> -> memref<40xi32, #tpu.memory_space<vmem>>
        %dma_wait3A_141 = arith.constant 0 : i32
        %dma_wait3A_142 = arith.constant 0 : i32
        %dma_wait3A_143 = tpu.memref_slice %arg2[%dma_wait3A_141, %dma_wait3A_142] : memref<10240x128xf32, #tpu.memory_space<hbm>> -> memref<10240x128xf32, #tpu.memory_space<hbm>>
        tpu.wait_indirect_dma semaphore(%arg15 : memref<!tpu.dma_semaphore, #tpu.memory_space<semaphore_mem>>) src(%dma_wait3A_143 : memref<10240x128xf32, #tpu.memory_space<hbm>>) dst(%arg10 : memref<40x128xf32, #tpu.memory_space<vmem>>)
        "tpu.region"() ({
          %run_scoped3A_186 = tpu.sem_alloc : memref<!tpu.dma_semaphore, #tpu.memory_space<semaphore_mem>>
          %dma_start3A_187 = arith.constant 0 : i32
          %dma_start3A_188 = tpu.memref_slice %arg7[%add3A_137, %dma_start3A_187] : memref<50x40xi32, #tpu.memory_space<vmem>> -> memref<1x40xi32, #tpu.memory_space<vmem>>
          %dma_start3A_189 = tpu.memref_squeeze %dma_start3A_188 : memref<1x40xi32, #tpu.memory_space<vmem>> -> memref<40xi32, #tpu.memory_space<vmem>>
          %dma_start3A_190 = arith.constant 0 : i32
          %dma_start3A_191 = arith.constant 0 : i32
          %dma_start3A_192 = tpu.memref_slice %arg18[%dma_start3A_190, %dma_start3A_191] : memref<10240x128xf32, #tpu.memory_space<vmem_shared>> -> memref<10240x128xf32, #tpu.memory_space<vmem_shared>>
          tpu.enqueue_indirect_dma source(%arg10 : memref<40x128xf32, #tpu.memory_space<vmem>>) target(%dma_start3A_192 : memref<10240x128xf32, #tpu.memory_space<vmem_shared>>) offsets(%dma_start3A_189 : memref<40xi32, #tpu.memory_space<vmem>>) semaphore(%run_scoped3A_186 : memref<!tpu.dma_semaphore, #tpu.memory_space<semaphore_mem>>) {add = true}
          %dma_wait3A_193 = arith.constant 0 : i32
          %dma_wait3A_194 = tpu.memref_slice %arg7[%add3A_137, %dma_wait3A_193] : memref<50x40xi32, #tpu.memory_space<vmem>> -> memref<1x40xi32, #tpu.memory_space<vmem>>
          %dma_wait3A_195 = tpu.memref_squeeze %dma_wait3A_194 : memref<1x40xi32, #tpu.memory_space<vmem>> -> memref<40xi32, #tpu.memory_space<vmem>>
          %dma_wait3A_196 = arith.constant 0 : i32
          %dma_wait3A_197 = arith.constant 0 : i32
          %dma_wait3A_198 = tpu.memref_slice %arg18[%dma_wait3A_196, %dma_wait3A_197] : memref<10240x128xf32, #tpu.memory_space<vmem_shared>> -> memref<10240x128xf32, #tpu.memory_space<vmem_shared>>
          tpu.wait_indirect_dma semaphore(%run_scoped3A_186 : memref<!tpu.dma_semaphore, #tpu.memory_space<semaphore_mem>>) src(%arg10 : memref<40x128xf32, #tpu.memory_space<vmem>>) dst(%dma_wait3A_198 : memref<10240x128xf32, #tpu.memory_space<vmem_shared>>)
          tpu.yield
        }) : () -> ()
        %add3A_144 = arith.constant 5 : i32
        %add3A_145 = arith.addi %add3A_137, %add3A_144 : i32
        %lt3A_146 = arith.constant 50 : i32
        %lt3A_147 = arith.cmpi slt, %add3A_145, %lt3A_146 : i32
        %convert_element_type3A_148 = arith.extui %lt3A_147 : i1 to i32
        %cond3A_149 = arith.constant 0 : i32
        %cond3A_150 = arith.cmpi ne, %convert_element_type3A_148, %cond3A_149 : i32
        scf.if %cond3A_150 {
          %dma_start3A_186 = arith.constant 0 : i32
          %dma_start3A_187 = tpu.memref_slice %arg6[%add3A_145, %dma_start3A_186] : memref<50x40xi32, #tpu.memory_space<vmem>> -> memref<1x40xi32, #tpu.memory_space<vmem>>
          %dma_start3A_188 = tpu.memref_squeeze %dma_start3A_187 : memref<1x40xi32, #tpu.memory_space<vmem>> -> memref<40xi32, #tpu.memory_space<vmem>>
          %dma_start3A_189 = arith.constant 0 : i32
          %dma_start3A_190 = arith.constant 0 : i32
          %dma_start3A_191 = tpu.memref_slice %arg2[%dma_start3A_189, %dma_start3A_190] : memref<10240x128xf32, #tpu.memory_space<hbm>> -> memref<10240x128xf32, #tpu.memory_space<hbm>>
          tpu.enqueue_indirect_dma source(%dma_start3A_191 : memref<10240x128xf32, #tpu.memory_space<hbm>>) target(%arg10 : memref<40x128xf32, #tpu.memory_space<vmem>>) offsets(%dma_start3A_188 : memref<40xi32, #tpu.memory_space<vmem>>) semaphore(%arg15 : memref<!tpu.dma_semaphore, #tpu.memory_space<semaphore_mem>>)
        } else {
        }
        %mul3A_151 = arith.constant 5 : i32
        %mul3A_152 = arith.muli %scan3A_100, %mul3A_151 : i32
        %add3A_153 = arith.constant 3 : i32
        %add3A_154 = arith.addi %mul3A_152, %add3A_153 : i32
        %dma_wait3A_155 = arith.constant 0 : i32
        %dma_wait3A_156 = tpu.memref_slice %arg6[%add3A_154, %dma_wait3A_155] : memref<50x40xi32, #tpu.memory_space<vmem>> -> memref<1x40xi32, #tpu.memory_space<vmem>>
        %dma_wait3A_157 = tpu.memref_squeeze %dma_wait3A_156 : memref<1x40xi32, #tpu.memory_space<vmem>> -> memref<40xi32, #tpu.memory_space<vmem>>
        %dma_wait3A_158 = arith.constant 0 : i32
        %dma_wait3A_159 = arith.constant 0 : i32
        %dma_wait3A_160 = tpu.memref_slice %arg2[%dma_wait3A_158, %dma_wait3A_159] : memref<10240x128xf32, #tpu.memory_space<hbm>> -> memref<10240x128xf32, #tpu.memory_space<hbm>>
        tpu.wait_indirect_dma semaphore(%arg16 : memref<!tpu.dma_semaphore, #tpu.memory_space<semaphore_mem>>) src(%dma_wait3A_160 : memref<10240x128xf32, #tpu.memory_space<hbm>>) dst(%arg11 : memref<40x128xf32, #tpu.memory_space<vmem>>)
        "tpu.region"() ({
          %run_scoped3A_186 = tpu.sem_alloc : memref<!tpu.dma_semaphore, #tpu.memory_space<semaphore_mem>>
          %dma_start3A_187 = arith.constant 0 : i32
          %dma_start3A_188 = tpu.memref_slice %arg7[%add3A_154, %dma_start3A_187] : memref<50x40xi32, #tpu.memory_space<vmem>> -> memref<1x40xi32, #tpu.memory_space<vmem>>
          %dma_start3A_189 = tpu.memref_squeeze %dma_start3A_188 : memref<1x40xi32, #tpu.memory_space<vmem>> -> memref<40xi32, #tpu.memory_space<vmem>>
          %dma_start3A_190 = arith.constant 0 : i32
          %dma_start3A_191 = arith.constant 0 : i32
          %dma_start3A_192 = tpu.memref_slice %arg18[%dma_start3A_190, %dma_start3A_191] : memref<10240x128xf32, #tpu.memory_space<vmem_shared>> -> memref<10240x128xf32, #tpu.memory_space<vmem_shared>>
          tpu.enqueue_indirect_dma source(%arg11 : memref<40x128xf32, #tpu.memory_space<vmem>>) target(%dma_start3A_192 : memref<10240x128xf32, #tpu.memory_space<vmem_shared>>) offsets(%dma_start3A_189 : memref<40xi32, #tpu.memory_space<vmem>>) semaphore(%run_scoped3A_186 : memref<!tpu.dma_semaphore, #tpu.memory_space<semaphore_mem>>) {add = true}
          %dma_wait3A_193 = arith.constant 0 : i32
          %dma_wait3A_194 = tpu.memref_slice %arg7[%add3A_154, %dma_wait3A_193] : memref<50x40xi32, #tpu.memory_space<vmem>> -> memref<1x40xi32, #tpu.memory_space<vmem>>
          %dma_wait3A_195 = tpu.memref_squeeze %dma_wait3A_194 : memref<1x40xi32, #tpu.memory_space<vmem>> -> memref<40xi32, #tpu.memory_space<vmem>>
          %dma_wait3A_196 = arith.constant 0 : i32
          %dma_wait3A_197 = arith.constant 0 : i32
          %dma_wait3A_198 = tpu.memref_slice %arg18[%dma_wait3A_196, %dma_wait3A_197] : memref<10240x128xf32, #tpu.memory_space<vmem_shared>> -> memref<10240x128xf32, #tpu.memory_space<vmem_shared>>
          tpu.wait_indirect_dma semaphore(%run_scoped3A_186 : memref<!tpu.dma_semaphore, #tpu.memory_space<semaphore_mem>>) src(%arg11 : memref<40x128xf32, #tpu.memory_space<vmem>>) dst(%dma_wait3A_198 : memref<10240x128xf32, #tpu.memory_space<vmem_shared>>)
          tpu.yield
        }) : () -> ()
        %add3A_161 = arith.constant 5 : i32
        %add3A_162 = arith.addi %add3A_154, %add3A_161 : i32
        %lt3A_163 = arith.constant 50 : i32
        %lt3A_164 = arith.cmpi slt, %add3A_162, %lt3A_163 : i32
        %convert_element_type3A_165 = arith.extui %lt3A_164 : i1 to i32
        %cond3A_166 = arith.constant 0 : i32
        %cond3A_167 = arith.cmpi ne, %convert_element_type3A_165, %cond3A_166 : i32
        scf.if %cond3A_167 {
          %dma_start3A_186 = arith.constant 0 : i32
          %dma_start3A_187 = tpu.memref_slice %arg6[%add3A_162, %dma_start3A_186] : memref<50x40xi32, #tpu.memory_space<vmem>> -> memref<1x40xi32, #tpu.memory_space<vmem>>
          %dma_start3A_188 = tpu.memref_squeeze %dma_start3A_187 : memref<1x40xi32, #tpu.memory_space<vmem>> -> memref<40xi32, #tpu.memory_space<vmem>>
          %dma_start3A_189 = arith.constant 0 : i32
          %dma_start3A_190 = arith.constant 0 : i32
          %dma_start3A_191 = tpu.memref_slice %arg2[%dma_start3A_189, %dma_start3A_190] : memref<10240x128xf32, #tpu.memory_space<hbm>> -> memref<10240x128xf32, #tpu.memory_space<hbm>>
          tpu.enqueue_indirect_dma source(%dma_start3A_191 : memref<10240x128xf32, #tpu.memory_space<hbm>>) target(%arg11 : memref<40x128xf32, #tpu.memory_space<vmem>>) offsets(%dma_start3A_188 : memref<40xi32, #tpu.memory_space<vmem>>) semaphore(%arg16 : memref<!tpu.dma_semaphore, #tpu.memory_space<semaphore_mem>>)
        } else {
        }
        %mul3A_168 = arith.constant 5 : i32
        %mul3A_169 = arith.muli %scan3A_100, %mul3A_168 : i32
        %add3A_170 = arith.constant 4 : i32
        %add3A_171 = arith.addi %mul3A_169, %add3A_170 : i32
        %dma_wait3A_172 = arith.constant 0 : i32
        %dma_wait3A_173 = tpu.memref_slice %arg6[%add3A_171, %dma_wait3A_172] : memref<50x40xi32, #tpu.memory_space<vmem>> -> memref<1x40xi32, #tpu.memory_space<vmem>>
        %dma_wait3A_174 = tpu.memref_squeeze %dma_wait3A_173 : memref<1x40xi32, #tpu.memory_space<vmem>> -> memref<40xi32, #tpu.memory_space<vmem>>
        %dma_wait3A_175 = arith.constant 0 : i32
        %dma_wait3A_176 = arith.constant 0 : i32
        %dma_wait3A_177 = tpu.memref_slice %arg2[%dma_wait3A_175, %dma_wait3A_176] : memref<10240x128xf32, #tpu.memory_space<hbm>> -> memref<10240x128xf32, #tpu.memory_space<hbm>>
        tpu.wait_indirect_dma semaphore(%arg17 : memref<!tpu.dma_semaphore, #tpu.memory_space<semaphore_mem>>) src(%dma_wait3A_177 : memref<10240x128xf32, #tpu.memory_space<hbm>>) dst(%arg12 : memref<40x128xf32, #tpu.memory_space<vmem>>)
        "tpu.region"() ({
          %run_scoped3A_186 = tpu.sem_alloc : memref<!tpu.dma_semaphore, #tpu.memory_space<semaphore_mem>>
          %dma_start3A_187 = arith.constant 0 : i32
          %dma_start3A_188 = tpu.memref_slice %arg7[%add3A_171, %dma_start3A_187] : memref<50x40xi32, #tpu.memory_space<vmem>> -> memref<1x40xi32, #tpu.memory_space<vmem>>
          %dma_start3A_189 = tpu.memref_squeeze %dma_start3A_188 : memref<1x40xi32, #tpu.memory_space<vmem>> -> memref<40xi32, #tpu.memory_space<vmem>>
          %dma_start3A_190 = arith.constant 0 : i32
          %dma_start3A_191 = arith.constant 0 : i32
          %dma_start3A_192 = tpu.memref_slice %arg18[%dma_start3A_190, %dma_start3A_191] : memref<10240x128xf32, #tpu.memory_space<vmem_shared>> -> memref<10240x128xf32, #tpu.memory_space<vmem_shared>>
          tpu.enqueue_indirect_dma source(%arg12 : memref<40x128xf32, #tpu.memory_space<vmem>>) target(%dma_start3A_192 : memref<10240x128xf32, #tpu.memory_space<vmem_shared>>) offsets(%dma_start3A_189 : memref<40xi32, #tpu.memory_space<vmem>>) semaphore(%run_scoped3A_186 : memref<!tpu.dma_semaphore, #tpu.memory_space<semaphore_mem>>) {add = true}
          %dma_wait3A_193 = arith.constant 0 : i32
          %dma_wait3A_194 = tpu.memref_slice %arg7[%add3A_171, %dma_wait3A_193] : memref<50x40xi32, #tpu.memory_space<vmem>> -> memref<1x40xi32, #tpu.memory_space<vmem>>
          %dma_wait3A_195 = tpu.memref_squeeze %dma_wait3A_194 : memref<1x40xi32, #tpu.memory_space<vmem>> -> memref<40xi32, #tpu.memory_space<vmem>>
          %dma_wait3A_196 = arith.constant 0 : i32
          %dma_wait3A_197 = arith.constant 0 : i32
          %dma_wait3A_198 = tpu.memref_slice %arg18[%dma_wait3A_196, %dma_wait3A_197] : memref<10240x128xf32, #tpu.memory_space<vmem_shared>> -> memref<10240x128xf32, #tpu.memory_space<vmem_shared>>
          tpu.wait_indirect_dma semaphore(%run_scoped3A_186 : memref<!tpu.dma_semaphore, #tpu.memory_space<semaphore_mem>>) src(%arg12 : memref<40x128xf32, #tpu.memory_space<vmem>>) dst(%dma_wait3A_198 : memref<10240x128xf32, #tpu.memory_space<vmem_shared>>)
          tpu.yield
        }) : () -> ()
        %add3A_178 = arith.constant 5 : i32
        %add3A_179 = arith.addi %add3A_171, %add3A_178 : i32
        %lt3A_180 = arith.constant 50 : i32
        %lt3A_181 = arith.cmpi slt, %add3A_179, %lt3A_180 : i32
        %convert_element_type3A_182 = arith.extui %lt3A_181 : i1 to i32
        %cond3A_183 = arith.constant 0 : i32
        %cond3A_184 = arith.cmpi ne, %convert_element_type3A_182, %cond3A_183 : i32
        scf.if %cond3A_184 {
          %dma_start3A_186 = arith.constant 0 : i32
          %dma_start3A_187 = tpu.memref_slice %arg6[%add3A_179, %dma_start3A_186] : memref<50x40xi32, #tpu.memory_space<vmem>> -> memref<1x40xi32, #tpu.memory_space<vmem>>
          %dma_start3A_188 = tpu.memref_squeeze %dma_start3A_187 : memref<1x40xi32, #tpu.memory_space<vmem>> -> memref<40xi32, #tpu.memory_space<vmem>>
          %dma_start3A_189 = arith.constant 0 : i32
          %dma_start3A_190 = arith.constant 0 : i32
          %dma_start3A_191 = tpu.memref_slice %arg2[%dma_start3A_189, %dma_start3A_190] : memref<10240x128xf32, #tpu.memory_space<hbm>> -> memref<10240x128xf32, #tpu.memory_space<hbm>>
          tpu.enqueue_indirect_dma source(%dma_start3A_191 : memref<10240x128xf32, #tpu.memory_space<hbm>>) target(%arg12 : memref<40x128xf32, #tpu.memory_space<vmem>>) offsets(%dma_start3A_188 : memref<40xi32, #tpu.memory_space<vmem>>) semaphore(%arg17 : memref<!tpu.dma_semaphore, #tpu.memory_space<semaphore_mem>>)
        } else {
        }
        %scan3A_185 = arith.constant 0 : i32
        scf.yield %scan3A_185 : i32
      }
      %scan3A_98 = arith.constant 10 : i32
      %scan3A_99 = arith.constant 0 : i32
      scf.yield %scan3A_99 : i32
    }
    %scan3A_82 = arith.constant 5 : i32
    %barrier3A_83 = arith.constant 0 : index
    tpu.barrier barrier_id(%barrier3A_83)
    %mul3A_84 = arith.constant 640 : i32
    %mul3A_85 = arith.muli %arg1, %mul3A_84 : i32
    %mul3A_86 = arith.constant 640 : i32
    %mul3A_87 = arith.muli %arg1, %mul3A_86 : i32
    "tpu.region"() ({
      %run_scoped3A_88 = tpu.sem_alloc : memref<!tpu.dma_semaphore, #tpu.memory_space<semaphore_mem>>
      %dma_start3A_89 = arith.constant 0 : i32
      %dma_start3A_90 = tpu.memref_slice %arg5[%arg0, %mul3A_87, %dma_start3A_89] : memref<2x10240x128xf32, #tpu.memory_space<hbm>> -> memref<1x640x128xf32, #tpu.memory_space<hbm>>
      %dma_start3A_91 = tpu.memref_squeeze %dma_start3A_90 : memref<1x640x128xf32, #tpu.memory_space<hbm>> -> memref<640x128xf32, #tpu.memory_space<hbm>>
      %dma_start3A_92 = arith.constant 0 : i32
      %dma_start3A_93 = tpu.memref_slice %arg18[%mul3A_85, %dma_start3A_92] : memref<10240x128xf32, #tpu.memory_space<vmem_shared>> -> memref<640x128xf32, #tpu.memory_space<vmem_shared>>
      tpu.enqueue_dma source(%dma_start3A_93 : memref<640x128xf32, #tpu.memory_space<vmem_shared>>) target(%dma_start3A_91 : memref<640x128xf32, #tpu.memory_space<hbm>>) target_semaphore(%run_scoped3A_88 : memref<!tpu.dma_semaphore, #tpu.memory_space<semaphore_mem>>)
      %dma_wait3A = arith.constant 0 : i32
      %dma_wait3A_94 = tpu.memref_slice %arg5[%arg0, %mul3A_87, %dma_wait3A] : memref<2x10240x128xf32, #tpu.memory_space<hbm>> -> memref<1x640x128xf32, #tpu.memory_space<hbm>>
      %dma_wait3A_95 = tpu.memref_squeeze %dma_wait3A_94 : memref<1x640x128xf32, #tpu.memory_space<hbm>> -> memref<640x128xf32, #tpu.memory_space<hbm>>
      %dma_wait3A_96 = arith.constant 0 : i32
      %dma_wait3A_97 = tpu.memref_slice %arg18[%mul3A_85, %dma_wait3A_96] : memref<10240x128xf32, #tpu.memory_space<vmem_shared>> -> memref<640x128xf32, #tpu.memory_space<vmem_shared>>
      tpu.wait_dma2 semaphore(%run_scoped3A_88 : memref<!tpu.dma_semaphore, #tpu.memory_space<semaphore_mem>>) src(%dma_wait3A_97 : memref<640x128xf32, #tpu.memory_space<vmem_shared>>) dst(%dma_wait3A_95 : memref<640x128xf32, #tpu.memory_space<hbm>>)
      tpu.yield
    }) : () -> ()
    return
  }
}

module attributes {stable_mosaic.version = 14 : i64} {
  func.func @_prescale_body(%arg0: memref<10000x128xf32, #tpu.memory_space<vmem>>, %arg1: memref<128x128xf32, #tpu.memory_space<vmem>>, %arg2: memref<32x80x128xf32, #tpu.memory_space<vmem>>, %arg3: memref<10240x128xf32, #tpu.memory_space<vmem>>, %arg4: memref<80x128xf32, #tpu.memory_space<vmem>>) attributes {dimension_semantics = [], scalar_prefetch = 0 : i64, scratch_operands = 0 : i64, tpu.core_type = #tpu.core_type<tc>} {
    %get3A = arith.constant 0 : index
    %get3A_0 = arith.constant 0 : index
    %get3A_1 = arith.constant 0 : index
    %get3A_2 = vector.load %arg2[%get3A, %get3A_0, %get3A_1] : memref<32x80x128xf32, #tpu.memory_space<vmem>>, vector<32x80x128xf32>
    %reduce_sum3A = arith.constant dense<0.000000e+00> : vector<80x128xf32>
    %reduce_sum3A_3 = vector.multi_reduction <add>, %get3A_2, %reduce_sum3A [0] : vector<32x80x128xf32> to vector<80x128xf32>
    %add3A = arith.constant 1.000000e+00 : f32
    %add3A_4 = vector.broadcast %add3A : f32 to vector<80x128xf32>
    %add3A_5 = arith.addf %reduce_sum3A_3, %add3A_4 : vector<80x128xf32>
    %rsqrt3A = math.rsqrt %add3A_5 : vector<80x128xf32>
    %get3A_6 = arith.constant 0 : index
    %get3A_7 = arith.constant 0 : index
    %get3A_8 = vector.load %arg0[%get3A_6, %get3A_7] : memref<10000x128xf32, #tpu.memory_space<vmem>>, vector<10000x128xf32>
    %broadcast_in_dim3A = arith.constant 0.000000e+00 : f32
    %broadcast_in_dim3A_9 = vector.broadcast %broadcast_in_dim3A : f32 to vector<240x128xf32>
    %concatenate3A = tpu.concatenate %get3A_8, %broadcast_in_dim3A_9 in 0 : vector<10000x128xf32>, vector<240x128xf32> -> vector<10240x128xf32>
    %get3A_10 = arith.constant 0 : index
    %get3A_11 = arith.constant 0 : index
    %get3A_12 = vector.load %arg1[%get3A_10, %get3A_11] : memref<128x128xf32, #tpu.memory_space<vmem>>, vector<128x128xf32>
    %dot_general3A = arith.constant dense<0.000000e+00> : vector<10240x128xf32>
    %dot_general3A_13 = tpu.matmul %concatenate3A, %get3A_12, %dot_general3A {dimension_numbers = #tpu.dot_dimension_numbers<[1], [0], [0], [1], [0, 0, 1, 1], [], []>, transpose_lhs_hint = false} : vector<10240x128xf32>, vector<128x128xf32>, vector<10240x128xf32> -> vector<10240x128xf32>
    %reshape3A = vector.shape_cast %dot_general3A_13 : vector<10240x128xf32> to vector<80x128x128xf32>
    %broadcast_in_dim3A_14 = vector.shape_cast %rsqrt3A : vector<80x128xf32> to vector<80x128x1xf32>
    %mul3A = vector.broadcast %broadcast_in_dim3A_14 : vector<80x128x1xf32> to vector<80x128x128xf32>
    %mul3A_15 = arith.mulf %reshape3A, %mul3A : vector<80x128x128xf32>
    %reshape3A_16 = vector.shape_cast %mul3A_15 : vector<80x128x128xf32> to vector<10240x128xf32>
    %swap3A = arith.constant 0 : index
    %swap3A_17 = arith.constant 0 : index
    %swap3A_18 = vector.load %arg3[%swap3A, %swap3A_17] : memref<10240x128xf32, #tpu.memory_space<vmem>>, vector<10240x128xf32>
    tpu.vector_store %arg3[%swap3A, %swap3A_17], %reshape3A_16 {strides = array<i32>} : memref<10240x128xf32, #tpu.memory_space<vmem>>, vector<10240x128xf32>,
    %swap3A_19 = arith.constant 0 : index
    %swap3A_20 = arith.constant 0 : index
    %swap3A_21 = vector.load %arg4[%swap3A_19, %swap3A_20] : memref<80x128xf32, #tpu.memory_space<vmem>>, vector<80x128xf32>
    tpu.vector_store %arg4[%swap3A_19, %swap3A_20], %rsqrt3A {strides = array<i32>} : memref<80x128xf32, #tpu.memory_space<vmem>>, vector<80x128xf32>,
    return
  }
}

module attributes {stable_mosaic.version = 14 : i64} {
  func.func @_bn_body(%arg0: memref<10240x128xf32, #tpu.memory_space<vmem>>, %arg1: memref<2x10240x128xf32, #tpu.memory_space<vmem>>, %arg2: memref<80x128xf32, #tpu.memory_space<vmem>>, %arg3: memref<1x128xf32, #tpu.memory_space<vmem>>, %arg4: memref<1x128xf32, #tpu.memory_space<vmem>>, %arg5: memref<1x128xf32, #tpu.memory_space<vmem>>, %arg6: memref<10000x128xf32, #tpu.memory_space<vmem>>) attributes {dimension_semantics = [], scalar_prefetch = 0 : i64, scratch_operands = 0 : i64, tpu.core_type = #tpu.core_type<tc>} {
    %get3A = arith.constant 0 : index
    %get3A_0 = arith.constant 0 : index
    %get3A_1 = vector.load %arg0[%get3A, %get3A_0] : memref<10240x128xf32, #tpu.memory_space<vmem>>, vector<10240x128xf32>
    %get3A_2 = arith.constant 0 : index
    %get3A_3 = arith.constant 0 : index
    %get3A_4 = arith.constant 0 : index
    %get3A_5 = vector.load %arg1[%get3A_2, %get3A_3, %get3A_4] : memref<2x10240x128xf32, #tpu.memory_space<vmem>>, vector<1x10240x128xf32>
    %get3A_6 = vector.shape_cast %get3A_5 : vector<1x10240x128xf32> to vector<10240x128xf32>
    %add3A = arith.addf %get3A_1, %get3A_6 : vector<10240x128xf32>
    %get3A_7 = arith.constant 1 : index
    %get3A_8 = arith.constant 0 : index
    %get3A_9 = arith.constant 0 : index
    %get3A_10 = vector.load %arg1[%get3A_7, %get3A_8, %get3A_9] : memref<2x10240x128xf32, #tpu.memory_space<vmem>>, vector<1x10240x128xf32>
    %get3A_11 = vector.shape_cast %get3A_10 : vector<1x10240x128xf32> to vector<10240x128xf32>
    %add3A_12 = arith.addf %add3A, %get3A_11 : vector<10240x128xf32>
    %reshape3A = vector.shape_cast %add3A_12 : vector<10240x128xf32> to vector<80x128x128xf32>
    %get3A_13 = arith.constant 0 : index
    %get3A_14 = arith.constant 0 : index
    %get3A_15 = vector.load %arg2[%get3A_13, %get3A_14] : memref<80x128xf32, #tpu.memory_space<vmem>>, vector<80x128xf32>
    %broadcast_in_dim3A = vector.shape_cast %get3A_15 : vector<80x128xf32> to vector<80x128x1xf32>
    %mul3A = vector.broadcast %broadcast_in_dim3A : vector<80x128x1xf32> to vector<80x128x128xf32>
    %mul3A_16 = arith.mulf %reshape3A, %mul3A : vector<80x128x128xf32>
    %reshape3A_17 = vector.shape_cast %mul3A_16 : vector<80x128x128xf32> to vector<10240x128xf32>
    %get3A_18 = arith.constant 0 : index
    %get3A_19 = arith.constant 0 : index
    %get3A_20 = vector.load %arg3[%get3A_18, %get3A_19] : memref<1x128xf32, #tpu.memory_space<vmem>>, vector<1x128xf32>
    %add3A_21 = vector.broadcast %get3A_20 : vector<1x128xf32> to vector<10240x128xf32>
    %add3A_22 = arith.addf %reshape3A_17, %add3A_21 : vector<10240x128xf32>
    %slice3A = vector.extract_strided_slice %add3A_22 {offsets = [0, 0], sizes = [10000, 128], strides = [1, 1]} : vector<10240x128xf32> to vector<10000x128xf32>
    %reduce_sum3A = arith.constant dense<0.000000e+00> : vector<128xf32>
    %reduce_sum3A_23 = vector.multi_reduction <add>, %slice3A, %reduce_sum3A [0] : vector<10000x128xf32> to vector<128xf32>
    %broadcast_in_dim3A_24 = vector.shape_cast %reduce_sum3A_23 : vector<128xf32> to vector<1x128xf32>
    %mul3A_25 = arith.constant 9.99999974E-5 : f32
    %mul3A_26 = vector.broadcast %mul3A_25 : f32 to vector<1x128xf32>
    %mul3A_27 = arith.mulf %broadcast_in_dim3A_24, %mul3A_26 : vector<1x128xf32>
    %mul3A_28 = arith.mulf %slice3A, %slice3A : vector<10000x128xf32>
    %reduce_sum3A_29 = arith.constant dense<0.000000e+00> : vector<128xf32>
    %reduce_sum3A_30 = vector.multi_reduction <add>, %mul3A_28, %reduce_sum3A_29 [0] : vector<10000x128xf32> to vector<128xf32>
    %broadcast_in_dim3A_31 = vector.shape_cast %reduce_sum3A_30 : vector<128xf32> to vector<1x128xf32>
    %mul3A_32 = arith.constant 9.99999974E-5 : f32
    %mul3A_33 = vector.broadcast %mul3A_32 : f32 to vector<1x128xf32>
    %mul3A_34 = arith.mulf %broadcast_in_dim3A_31, %mul3A_33 : vector<1x128xf32>
    %mul3A_35 = arith.mulf %mul3A_27, %mul3A_27 : vector<1x128xf32>
    %sub3A = arith.subf %mul3A_34, %mul3A_35 : vector<1x128xf32>
    %add3A_36 = arith.constant 9.99999974E-6 : f32
    %add3A_37 = vector.broadcast %add3A_36 : f32 to vector<1x128xf32>
    %add3A_38 = arith.addf %sub3A, %add3A_37 : vector<1x128xf32>
    %rsqrt3A = math.rsqrt %add3A_38 : vector<1x128xf32>
    %get3A_39 = arith.constant 0 : index
    %get3A_40 = arith.constant 0 : index
    %get3A_41 = vector.load %arg4[%get3A_39, %get3A_40] : memref<1x128xf32, #tpu.memory_space<vmem>>, vector<1x128xf32>
    %mul3A_42 = arith.mulf %rsqrt3A, %get3A_41 : vector<1x128xf32>
    %sub3A_43 = vector.broadcast %mul3A_27 : vector<1x128xf32> to vector<10000x128xf32>
    %sub3A_44 = arith.subf %slice3A, %sub3A_43 : vector<10000x128xf32>
    %mul3A_45 = vector.broadcast %mul3A_42 : vector<1x128xf32> to vector<10000x128xf32>
    %mul3A_46 = arith.mulf %sub3A_44, %mul3A_45 : vector<10000x128xf32>
    %get3A_47 = arith.constant 0 : index
    %get3A_48 = arith.constant 0 : index
    %get3A_49 = vector.load %arg5[%get3A_47, %get3A_48] : memref<1x128xf32, #tpu.memory_space<vmem>>, vector<1x128xf32>
    %add3A_50 = vector.broadcast %get3A_49 : vector<1x128xf32> to vector<10000x128xf32>
    %add3A_51 = arith.addf %mul3A_46, %add3A_50 : vector<10000x128xf32>
    %max3A = arith.constant 0.000000e+00 : f32
    %max3A_52 = vector.broadcast %max3A : f32 to vector<10000x128xf32>
    %max3A_53 = arith.maximumf %add3A_51, %max3A_52 : vector<10000x128xf32>
    %swap3A = arith.constant 0 : index
    %swap3A_54 = arith.constant 0 : index
    %swap3A_55 = vector.load %arg6[%swap3A, %swap3A_54] : memref<10000x128xf32, #tpu.memory_space<vmem>>, vector<10000x128xf32>
    tpu.vector_store %arg6[%swap3A, %swap3A_54], %max3A_53 {strides = array<i32>} : memref<10000x128xf32, #tpu.memory_space<vmem>>, vector<10000x128xf32>,
    return
  }
}

</mosaic_0001>

<sc_bundles>
// kernel: kernel.6.cloned.1.call-start
scs
__scs_entry_jumppad:
0x0: {  	(pc) =	sbr.rel $0x88, $3  }
0x1: {  	(tag) =	ssettag $0x0;
	lr =	simm.s32 $0x1  }
0x2: {  	[smem:$0x3F9B] =	sst lr;
	_ =	strace $0xD0000000  }
0x3: {  	_ = 	snop  }
0x4: {  	_ = 	snop  }
0x5: {  	_ = 	snop  }
0x6: {  	_ = 	snop  }
0x7: {  	_ = 	snop  }
__scs_overlays_trampoline_lowered:
0x8: {  	[smem:$0x3FAA] =	sst s0  }
0x9: {  	[smem:$0x3FAB] =	sst s1  }
0xa: {  	[smem:$0x3FAC] =	sst s2  }
0xb: {  	[smem:$0x3FAD] =	sst s3  }
0xc: {  	[smem:$0x3FAE] =	sst s4  }
0xd: {  	[smem:$0x3FAF] =	sst s5  }
0xe: {  	[smem:$0x3FB0] =	sst s6  }
0xf: {  	[smem:$0x3FB1] =	sst s7  }
0x10: {  	[smem:$0x3FB2] =	sst s8  }
0x11: {  	[smem:$0x3FB3] =	sst s9;
	s0 =	simm.s32 @!p0 $0x0  }
0x12: {  	s1 =	sld [smem:$0x3F99];
	s0 =	simm.s32 @p0 $0x1  }
0x13: {  	[smem:$0x3FB4] =	sst s0;
	s0 =	simm.s32 @!p1 $0x0  }
0x14: {  	s2 =	sld [smem:$0x3F98];
	s0 =	simm.s32 @p1 $0x1  }
0x15: {  	[smem:$0x3FB5] =	sst s0;
	s0 =	simm.s32 @!p2 $0x0  }
0x16: {  	s3 =	sld [smem:$0x3FDB];
	s0 =	simm.s32 @p2 $0x1  }
0x17: {  	s4 =	simm.s32 $0x1BF5;
	[smem:$0x3FB7] =	sst s0  }
0x18: {  	s0 =	sld [smem:$0x3F9A];
	_ =	swait.ge [sflag:s4], $0x0  }
0x19: {  	s7 =	sld [smem:$0x3F9B]  }
0x1a: {  	s8 =	sadd.s32 $0xFFFFE003, lr  }
0x1b: {  	s9 =	sadd.s32 $0xFFFFFEF7, lr;
	s5 =	simm.s32 $0xFFFFFFFF;
	p2 =	slt.u32 s8, $0xFFFFF086  }
0x1c: {  	p1 =	slt.u32 s9, $0xF7A;
	s5 =	simm.s32 @!p2 $0x0  }
0x1d: {  	s5 =	simm.s32 @p1 $0x1;
	p0 =	seq.s32 s7, s2  }
0x1e: {  	s7 =	smul.u32 @!p0 $0xF7A, s2;
	p2 =	seq.s32 @!p0 s5, $0x0  }
0x1f: {  	s9 =	smul.u32 $0xF7A, s1;
	s8 =	simm.s32 @!p0 $0x1BF5;
	p2 =	por !p2, p0  }
0x20: {  	[sflag:s8] =	ssyncset.s32 @!p0 $0xFFFFF086;
	s6 =	sadd.s32 @!p0 s3, s7;
	s7 =	simm.s32 @!p0 $0x108  }
0x21: {  	s3 =	sadd.s32 s3, s9;
	s6 =	sadd.s32 @!p0 $0x88, s6;
	s7 =	simm.s32 @p2 $0x1082  }
0x22: {  	[simem:s7], [sflag:s8] =	dma.local @!p0 [hbm:s6], $0xF7A  }
0x23: {  	s9 =	sor.u32 $0xD0000000, s2;
	s6 =	simm.s32 $0x108;
	_ =	swait.ge @!p0 [sflag:s8], $0x0  }
0x24: {  	s3 =	sadd.s32 $0x88, s3;
	s6 =	simm.s32 @!p1 $0x1082;
	[sflag:s4] =	ssyncset.s32 $0xFFFFF086  }
0x25: {  	[simem:s6], [sflag:s4] =	dma.local [hbm:s3], $0xF7A  }
0x26: {  	[smem:$0x3F9B] =	sst s1;
	(tag) =	ssettag s2;
	_ =	strace s9  }
0x27: {  	s1 =	sld [smem:$0x3FAB]  }
0x28: {  	s2 =	sld [smem:$0x3FAC]  }
0x29: {  	s4 =	sld [smem:$0x3FAE]  }
0x2a: {  	p0 =	seq.s32 s5, $0x0;
	s5 =	sld [smem:$0x3FAF]  }
0x2b: {  	s6 =	sld [smem:$0x3FB0]  }
0x2c: {  	s7 =	sld [smem:$0x3FB1]  }
0x2d: {  	s3 =	simm.s32 $0x108;
	s8 =	sld [smem:$0x3FB2]  }
0x2e: {  	s3 =	simm.s32 @!p0 $0x1082;
	s9 =	sld [smem:$0x3FB3]  }
0x2f: {  	lr =	sadd.s32 s0, s3;
	s0 =	sld [smem:$0x3FAA]  }
0x30: {  	s3 =	sld [smem:$0x3FAD]  }
0x31: {  	[smem:$0x3FB6] =	sst s10  }
0x32: {  	s10 =	sld [smem:$0x3FB4];
	_ =	sdelay $0x3  }
0x33: {  	p0 =	seq.s32 s10, $0x1;
	s10 =	sld [smem:$0x3FB6];
	_ =	sdelay $0x3  }
0x34: {  	[smem:$0x3FB6] =	sst s10  }
0x35: {  	s10 =	sld [smem:$0x3FB5];
	_ =	sdelay $0x3  }
0x36: {  	p1 =	seq.s32 s10, $0x1;
	s10 =	sld [smem:$0x3FB6];
	_ =	sdelay $0x3  }
0x37: {  	[smem:$0x3FB6] =	sst s10  }
0x38: {  	s10 =	sld [smem:$0x3FB7]  }
0x39: {  	_ = 	snop;
	(pc) =	sbr.ind lr, $3  }
0x3a: {  	_ = 	snop  }
0x3b: {  	_ = 	snop  }
0x3c: {  	p2 =	seq.s32 s10, $0x1;
	s10 =	sld [smem:$0x3FB6]  }
0x3d: {  	_ =	shalt  }
0x3e: {  	_ =	shalt  }
0x3f: {  	_ =	shalt  }
0x40: {  	_ =	shalt  }
0x41: {  	_ =	shalt  }
0x42: {  	_ =	shalt  }
0x43: {  	_ =	shalt  }
0x44: {  	_ =	shalt  }
0x45: {  	_ =	shalt  }
0x46: {  	_ =	shalt  }
0x47: {  	_ =	shalt  }
0x48: {  	_ =	shalt  }
0x49: {  	_ =	shalt  }
0x4a: {  	_ =	shalt  }
0x4b: {  	_ =	shalt  }
0x4c: {  	_ =	shalt  }
0x4d: {  	_ =	shalt  }
0x4e: {  	_ =	shalt  }
0x4f: {  	_ =	shalt  }
0x50: {  	_ =	shalt  }
0x51: {  	_ =	shalt  }
0x52: {  	_ =	shalt  }
0x53: {  	_ =	shalt  }
0x54: {  	_ =	shalt  }
0x55: {  	_ =	shalt  }
0x56: {  	_ =	shalt  }
0x57: {  	_ =	shalt  }
0x58: {  	_ =	shalt  }
0x59: {  	_ =	shalt  }
0x5a: {  	_ =	shalt  }
0x5b: {  	_ =	shalt  }
0x5c: {  	_ =	shalt  }
0x5d: {  	_ =	shalt  }
0x5e: {  	_ =	shalt  }
0x5f: {  	_ =	shalt  }
0x60: {  	_ =	shalt  }
0x61: {  	_ =	shalt  }
0x62: {  	_ =	shalt  }
0x63: {  	_ =	shalt  }
0x64: {  	_ =	shalt  }
0x65: {  	_ =	shalt  }
0x66: {  	_ =	shalt  }
0x67: {  	_ =	shalt  }
0x68: {  	_ =	shalt  }
0x69: {  	_ =	shalt  }
0x6a: {  	_ =	shalt  }
0x6b: {  	_ =	shalt  }
0x6c: {  	_ =	shalt  }
0x6d: {  	_ =	shalt  }
0x6e: {  	_ =	shalt  }
0x6f: {  	_ =	shalt  }
0x70: {  	_ =	shalt  }
0x71: {  	_ =	shalt  }
0x72: {  	_ =	shalt  }
0x73: {  	_ =	shalt  }
0x74: {  	_ =	shalt  }
0x75: {  	_ =	shalt  }
0x76: {  	_ =	shalt  }
0x77: {  	_ =	shalt  }
0x78: {  	_ =	shalt  }
0x79: {  	_ =	shalt  }
0x7a: {  	_ =	shalt  }
0x7b: {  	_ =	shalt  }
0x7c: {  	_ =	shalt  }
0x7d: {  	_ =	shalt  }
0x7e: {  	_ =	shalt  }
0x7f: {  	_ =	shalt  }
0x80: {  	_ =	shalt  }
0x81: {  	_ =	shalt  }
0x82: {  	_ =	shalt  }
0x83: {  	_ =	shalt  }
0x84: {  	_ =	shalt  }
0x85: {  	_ =	shalt  }
0x86: {  	_ =	shalt  }
0x87: {  	_ =	shalt  }
.Lfunc_end0:
.L_simem_size_0:
called_computation_lowered:
.L_overlay_start_0:
0x88: {  	s2 =	sld [smem:$0x3FD9]  }
0x89: {  	s3 =	sld [smem:$0x3FFE];
	_ =	sdelay $0x1  }
0x8a: {  	s1 =	srdreg.scid  }
0x8b: {  	s0 =	sand.u32 $0x1, s1  }
0x8c: {  	s16 =	sshll.u32 s0, $0xA;
	s2 =	sadd.s32 s3, s2  }
0x8d: {  	s2 =	sadd.s32 s2, s16  }
0x8e: {  	[smem:$0x3FC2] =	sst s2  }
0x8f: {  	_ = 	snop  }
0x90: {  	(tm) =	ssettm $0x1  }
0x91: {  	s17 =	sld [smem:$0x3FFB];
	_ =	sdelay $0x3  }
0x92: {  	_ =	strace s17  }
0x93: {  	s2 =	sld [smem:$0x3FFC];
	_ =	sdelay $0x3  }
0x94: {  	_ =	strace s2  }
0x95: {  	s2 =	sld [smem:$0x3FFD];
	_ =	sdelay $0x3  }
0x96: {  	_ =	strace s2  }
0x97: {  	_ =	strace $0x8FFFFFFF  }
0x98: {  	s18 =	sld [smem:$0x3FDB];
	_ =	sdelay $0x1  }
0x99: {  	s19 =	simm.s32 $_scs_section_size  }
0x9a: {  	s4 =	simm.s32 $_size__tile_overlayer_lowered;
	s5 =	simm.s32 $_tile_overlayer_lowered  }
0x9b: {  	s22 =	simm.s32 $0x1BFF;
	s21 =	sshll.u32 s5, $0x1;
	s2 =	sadd.s32 s19, s18  }
0x9c: {  	s6 =	simm.s32 $0x0;
	s20 =	sshll.u32 s4, $0x1;
	s4 =	sadd.s32 s21, s2  }
0x9d: {  	[timem:s6], [sflag:s22] =	dma.local [hbm:s4], s20  }
0x9e: {  	_ =	swait.ge [sflag:s22], s20  }
0x9f: {  	s3 =	ssub.s32 $0x0, s20;
	[sflag:s22] =	ssyncset.done $0x0  }
0xa0: {  	[sflag:s22] =	ssyncadd.s32 s3;
	_ =	sdelay $0x1  }
0xa1: {  	s23 =	simm.s32 $0x1B8B  }
0xa2: {  	_ =	swait.ge [sflag:s23], $0x1  }
0xa3: {  	[sflag:s23] =	ssyncset.done $0x0  }
0xa4: {  	s25 =	simm.s32 $0x1B8E;
	s24 =	sld [smem:$0x3FFE];
	[sflag:s23] =	ssyncadd.s32 $0xFFFFFFFF  }
0xa5: {  	s26 =	simm.s32 $execute0_lowered;
	[smem:$0x3FD2] =	sst s25  }
0xa6: {  	s4 =	sshll.u32 s26, $0x1;
	_ =	strace $0x80000046;
	[dreg:$0x1] =	wrdreg $0xFFFFFFFF  }
0xa7: {  	s28 =	simm.s32 $_size_execute0_lowered;
	s2 =	sadd.s32 s2, s4;
	[dreg:$0x0] =	wrdreg $0x0  }
0xa8: {  	s4 =	sshll.u32 s28, $0x1;
	[dreg:$0x2] =	wrdreg s2  }
0xa9: {  	[dreg:$0x3] =	wrdreg s4  }
0xaa: {  	[dreg:$0x4] =	wrdreg $0xC0  }
0xab: {  	_ =	task [dreg:s6], $0x5FFFF  }
0xac: {  	[dreg:$0x1] =	wrdreg $0xFFFFFFFF  }
0xad: {  	[dreg:$0x0] =	wrdreg $0x60  }
0xae: {  	[dreg:$0x2] =	wrdreg s24  }
0xaf: {  	[dreg:$0x3] =	wrdreg $0x9  }
0xb0: {  	_ =	task.clear_ibuf [dreg:s6], $0x4FFFF;
	_ =	strace $0x90000046  }
0xb1: {  	s29 =	simm.s32 $0x9;
	_ =	strace $0x80000048  }
0xb2: {  	_ =	swait.ge [sflag:s29], $0x1  }
0xb3: {  	[sflag:s29] =	ssyncadd.s32 $0xFFFFFFFF  }
0xb4: {  	_ =	strace $0x90000048  }
0xb5: {  	_ =	sfence  }
0xb6: {  	s30 =	sld [smem:$0x0];
	_ =	sdelay $0x2  }
0xb7: {  	s31 =	sshll.u32 s1, $0xD;
	s1 =	sshrl.u32 s1, $0x2  }
0xb8: {  	s3 =	sand.u32 $0x4000, s31;
	s1 =	sadd.s32 s1, s30  }
0xb9: {  	s0 =	sor.u32 s3, s0;
	s1 =	sshll.u32 s1, $0x11  }
0xba: {  	s0 =	sor.u32 s1, s0  }
0xbb: {  	s0 =	sadd.s32 $0x8F2B, s0  }
0xbc: {  	[sflag:s0] =	ssyncadd.remote.s32 $0x1  }
0xbd: {  	_ =	sfence.sel $0xFFFF  }
0xbe: {  	[dreg:$0x0] =	wrdreg $0xFFFFFFFF;
	(pc) =	sbr.abs _section_cstart, $3  }
0xbf: {  	[dreg:$0x1] =	wrdreg $0xFFFFFFFF  }
0xc0: {  	_ =	task.clear_ibuf [dreg:s6], $0x2FFFF;
	_ =	strace $0x9FFFFFFF  }
0xc1: {  	(tm) =	ssettm $0x7FFFFFFF  }
tec
execute0_lowered:
.L_overlay_start_1:
0x0: {  	(tag) =	ssettag $0x1  }
0x1: {  	s1 =	srdreg.scid  }
0x2: {  	s0 =	stileid.u32;
	s3 =	rddreg [dreg:$0x0];
	s8 =	simm.s32 $0x80  }
0x3: {  	s9 =	simm.s32 $0x400;
	s10 =	simm.s32 $0x2;
	s11 =	simm.s32 $0x0  }
0x4: {  	s4 =	sand.u32 $0x1, s1;
	s2 =	sshll.u32 s0, $0x1;
	s1 =	rddreg [dreg:$0x1]  }
0x5: {  	s6 =	sshrl.u32 s0, $0x2;
	s5 =	sor.u32 s4, s2;
	s2 =	simm.s32 $0x0  }
0x6: {  	s6 =	smul.u32 $0x14000, s6;
	s4 =	ssub.s32 $0x2, s4;
	s7 =	sshll.u32 s5, $0x7  }
0x7: {  	[smem:$0x7FF] =	sst s2;
	s5 =	smul.u32 $0x4E2, s5;
	s7 =	sand.u32 $0x380, s7  }
0x8: {  	s31 =	sshrl.u32 s4, $0x1;
	_ =	strace $0x80000047;
	s6 =	sor.u32 s6, s7  }
0x9: {  	s5 =	sadd.s32 s5, s3;
	s7 =	ssub.s32 s4, s31;
	s6 =	sshrl.u32 s6, $0x3  }
0xa: {  	s6 =	sadd.s32 s6, s3;
	s3 =	sadd.s32 $0x2000, s5;
	s5 =	smax.u32 s7, $0x1  }
0xb: {  	v0 =	vimm.f32 $0.0e+00;
	v1 =	vimm.f32 $1.000000000e+00;
	s7 =	simm.s32 $0x2780;
	s4 =	sadd.s32 $0xBE00, s6;
	s6 =	simm.s32 $0x1  }
.LBB2_1:
0xc: {  	[tilespmem:s2], [sflag:$0x1] =	stream.linear.gather [hbm4b:s3+s2], $0x2710, $0x38;
	[tilespmem:$0x4F80] =	vst v63  }
0xd: {  	s12 =	simm.s32 $0x40;
	s13 =	simm.s32 $0x0  }
.LBB2_2:
0xe: {  	p0 =	sne.s32 s12, $0x9FC0;
	[tilespmem:s13+$0x2780] =	vst v0;
	s13 =	smov.u32 s12;
	s12 =	sadd.s32 $0x40, s12  }
.Ltmp0:
0xf: {  	(pc) =	sbr.rel @p0 .LBB2_2-.Ltmp0, $2  }
0x10: {  	_ =	sdelay $0x2  }
0x11: {  	s13 =	sshra.s32 s13, $0x2  }
0x12: {  	[tilespmem:s13+$0x2780] =	vst v0  }
0x13: {  	_ =	swait.ge [sflag:s6], $0x2710  }
0x14: {  	[sflag:s6] =	ssyncset.done $0x0  }
0x15: {  	s12 =	simm.s32 $0x0;
	[sflag:s6] =	ssyncadd.s32 $0xFFFFD8F0  }
.LBB2_4:
0x16: {  	s13 =	sshra.s32 s12, $0x2  }
0x17: {  	v2 =	vld [tilespmem:s13+$0x0];
	_ =	sdelay $0x7  }
0x18: {  	[tilespmem:v2+s7+$0x0] =	vst.idx.add.f32.msk $0xffff, v1  }
0x19: {  	v2 =	vld [tilespmem:s13+$0x10];
	_ =	sdelay $0x7  }
0x1a: {  	[tilespmem:v2+s7+$0x0] =	vst.idx.add.f32.msk $0xffff, v1  }
0x1b: {  	v2 =	vld [tilespmem:s13+$0x20];
	_ =	sdelay $0x7  }
0x1c: {  	[tilespmem:v2+s7+$0x0] =	vst.idx.add.f32.msk $0xffff, v1  }
0x1d: {  	v2 =	vld [tilespmem:s13+$0x30];
	_ =	sdelay $0x7  }
0x1e: {  	[tilespmem:v2+s7+$0x0] =	vst.idx.add.f32.msk $0xffff, v1  }
0x1f: {  	v2 =	vld [tilespmem:s13+$0x40];
	_ =	sdelay $0x2  }
0x20: {  	p0 =	sne.s32 s12, $0x9B00  }
.Ltmp1:
0x21: {  	_ = 	snop;
	(pc) =	sbr.rel @p0 .LBB2_4-.Ltmp1, $2  }
0x22: {  	_ =	sdelay $0x2  }
0x23: {  	s12 =	sadd.s32 $0x140, s12;
	[tilespmem:v2+s7+$0x0] =	vst.idx.add.f32.msk $0xffff, v1  }
0x24: {  	s11 =	sadd.s32 $0x1, s11  }
0x25: {  	p0 =	sne.s32 s11, s5  }
.Ltmp2:
0x26: {  	_ = 	snop;
	(pc) =	sbr.rel @p0 .LBB2_1-.Ltmp2, $4  }
0x27: {  	[hbm4b:s4+s8] =	stream.strided.scatter [tilespmem:s7], [sflag:$0x2], $0x2800, s9, s8, $0x38;
	[tilespmem:$0x4F80] =	vst v63  }
0x28: {  	_ =	swait.ge [sflag:s10], $0x2800  }
0x29: {  	[sflag:s10] =	ssyncset.done $0x0  }
0x2a: {  	[sflag:s10] =	ssyncadd.s32 $0xFFFFD800  }
0x2b: {  	_ =	sfence.sel $0x180000  }
0x2c: {  	[bflag:$0x0] =	sbarrier.arrive $0xFFFF  }
0x2d: {  	p0 =	sne.s32 s0, $0x0;
	_ =	strace $0x90000047  }
0x2e: {  	s0 =	sadd.s32 @!p0 $0x100000, s1;
	[bflag:$0x2] =	sbarrier.arrive $0xFFFF  }
0x2f: {  	[sflag:s0] =	ssyncadd.tile.s32 @!p0 $0x1;
	_ =	shalt  }
.Lfunc_end2:
_tile_overlayer_lowered:
.L_overlay_start_2:
0x30: {  	(tag) =	ssettag $0x2  }
0x31: {  	s0 =	rddreg [dreg:$0x0];
	s2 =	stileid.u32  }
0x32: {  	s1 =	rddreg [dreg:$0x1];
	p0 =	sne.s32 s2, $0x0  }
0x33: {  	s3 =	rddreg [dreg:$0x2];
	[bflag:$0x3] =	sbarrier.arrive $0xFFFF;
	s2 =	simm.s32 @!p0 $0x1C02  }
0x34: {  	[timem:s3], [sflag:s2] =	dma.local @!p0 [hbm:s0], s1  }
0x35: {  	s0 =	simm.s32 @!p0 $0x2  }
0x36: {  	_ =	swait.ge @!p0 [sflag:s0], s1  }
0x37: {  	s1 =	ssub.s32 @!p0 $0x0, s1;
	[sflag:s0] =	ssyncset.done @!p0 $0x0  }
0x38: {  	[sflag:s0] =	ssyncadd.s32 @!p0 s1  }
0x39: {  	[bflag:$0x3] =	sbarrier.arrive $0xFFFF  }
0x3a: {  	_ =	shalt  }

// kernel: kernel.9.cloned.1.call-start
scs
__scs_entry_jumppad:
0x0: {  	(pc) =	sbr.rel $0x88, $3  }
0x1: {  	(tag) =	ssettag $0x0;
	lr =	simm.s32 $0x1  }
0x2: {  	[smem:$0x3F9B] =	sst lr;
	_ =	strace $0xD0000000  }
0x3: {  	_ = 	snop  }
0x4: {  	_ = 	snop  }
0x5: {  	_ = 	snop  }
0x6: {  	_ = 	snop  }
0x7: {  	_ = 	snop  }
__scs_overlays_trampoline_lowered:
0x8: {  	[smem:$0x3FAA] =	sst s0  }
0x9: {  	[smem:$0x3FAB] =	sst s1  }
0xa: {  	[smem:$0x3FAC] =	sst s2  }
0xb: {  	[smem:$0x3FAD] =	sst s3  }
0xc: {  	[smem:$0x3FAE] =	sst s4  }
0xd: {  	[smem:$0x3FAF] =	sst s5  }
0xe: {  	[smem:$0x3FB0] =	sst s6  }
0xf: {  	[smem:$0x3FB1] =	sst s7  }
0x10: {  	[smem:$0x3FB2] =	sst s8  }
0x11: {  	[smem:$0x3FB3] =	sst s9;
	s0 =	simm.s32 @!p0 $0x0  }
0x12: {  	s1 =	sld [smem:$0x3F99];
	s0 =	simm.s32 @p0 $0x1  }
0x13: {  	[smem:$0x3FB4] =	sst s0;
	s0 =	simm.s32 @!p1 $0x0  }
0x14: {  	s2 =	sld [smem:$0x3F98];
	s0 =	simm.s32 @p1 $0x1  }
0x15: {  	[smem:$0x3FB5] =	sst s0;
	s0 =	simm.s32 @!p2 $0x0  }
0x16: {  	s3 =	sld [smem:$0x3FDB];
	s0 =	simm.s32 @p2 $0x1  }
0x17: {  	s4 =	simm.s32 $0x1BF5;
	[smem:$0x3FB7] =	sst s0  }
0x18: {  	s0 =	sld [smem:$0x3F9A];
	_ =	swait.ge [sflag:s4], $0x0  }
0x19: {  	s7 =	sld [smem:$0x3F9B]  }
0x1a: {  	s8 =	sadd.s32 $0xFFFFE003, lr  }
0x1b: {  	s9 =	sadd.s32 $0xFFFFFEF7, lr;
	s5 =	simm.s32 $0xFFFFFFFF;
	p2 =	slt.u32 s8, $0xFFFFF086  }
0x1c: {  	p1 =	slt.u32 s9, $0xF7A;
	s5 =	simm.s32 @!p2 $0x0  }
0x1d: {  	s5 =	simm.s32 @p1 $0x1;
	p0 =	seq.s32 s7, s2  }
0x1e: {  	s7 =	smul.u32 @!p0 $0xF7A, s2;
	p2 =	seq.s32 @!p0 s5, $0x0  }
0x1f: {  	s9 =	smul.u32 $0xF7A, s1;
	s8 =	simm.s32 @!p0 $0x1BF5;
	p2 =	por !p2, p0  }
0x20: {  	[sflag:s8] =	ssyncset.s32 @!p0 $0xFFFFF086;
	s6 =	sadd.s32 @!p0 s3, s7;
	s7 =	simm.s32 @!p0 $0x108  }
0x21: {  	s3 =	sadd.s32 s3, s9;
	s6 =	sadd.s32 @!p0 $0x88, s6;
	s7 =	simm.s32 @p2 $0x1082  }
0x22: {  	[simem:s7], [sflag:s8] =	dma.local @!p0 [hbm:s6], $0xF7A  }
0x23: {  	s9 =	sor.u32 $0xD0000000, s2;
	s6 =	simm.s32 $0x108;
	_ =	swait.ge @!p0 [sflag:s8], $0x0  }
0x24: {  	s3 =	sadd.s32 $0x88, s3;
	s6 =	simm.s32 @!p1 $0x1082;
	[sflag:s4] =	ssyncset.s32 $0xFFFFF086  }
0x25: {  	[simem:s6], [sflag:s4] =	dma.local [hbm:s3], $0xF7A  }
0x26: {  	[smem:$0x3F9B] =	sst s1;
	(tag) =	ssettag s2;
	_ =	strace s9  }
0x27: {  	s1 =	sld [smem:$0x3FAB]  }
0x28: {  	s2 =	sld [smem:$0x3FAC]  }
0x29: {  	s4 =	sld [smem:$0x3FAE]  }
0x2a: {  	p0 =	seq.s32 s5, $0x0;
	s5 =	sld [smem:$0x3FAF]  }
0x2b: {  	s6 =	sld [smem:$0x3FB0]  }
0x2c: {  	s7 =	sld [smem:$0x3FB1]  }
0x2d: {  	s3 =	simm.s32 $0x108;
	s8 =	sld [smem:$0x3FB2]  }
0x2e: {  	s3 =	simm.s32 @!p0 $0x1082;
	s9 =	sld [smem:$0x3FB3]  }
0x2f: {  	lr =	sadd.s32 s0, s3;
	s0 =	sld [smem:$0x3FAA]  }
0x30: {  	s3 =	sld [smem:$0x3FAD]  }
0x31: {  	[smem:$0x3FB6] =	sst s10  }
0x32: {  	s10 =	sld [smem:$0x3FB4];
	_ =	sdelay $0x3  }
0x33: {  	p0 =	seq.s32 s10, $0x1;
	s10 =	sld [smem:$0x3FB6];
	_ =	sdelay $0x3  }
0x34: {  	[smem:$0x3FB6] =	sst s10  }
0x35: {  	s10 =	sld [smem:$0x3FB5];
	_ =	sdelay $0x3  }
0x36: {  	p1 =	seq.s32 s10, $0x1;
	s10 =	sld [smem:$0x3FB6];
	_ =	sdelay $0x3  }
0x37: {  	[smem:$0x3FB6] =	sst s10  }
0x38: {  	s10 =	sld [smem:$0x3FB7]  }
0x39: {  	_ = 	snop;
	(pc) =	sbr.ind lr, $3  }
0x3a: {  	_ = 	snop  }
0x3b: {  	_ = 	snop  }
0x3c: {  	p2 =	seq.s32 s10, $0x1;
	s10 =	sld [smem:$0x3FB6]  }
0x3d: {  	_ =	shalt  }
0x3e: {  	_ =	shalt  }
0x3f: {  	_ =	shalt  }
0x40: {  	_ =	shalt  }
0x41: {  	_ =	shalt  }
0x42: {  	_ =	shalt  }
0x43: {  	_ =	shalt  }
0x44: {  	_ =	shalt  }
0x45: {  	_ =	shalt  }
0x46: {  	_ =	shalt  }
0x47: {  	_ =	shalt  }
0x48: {  	_ =	shalt  }
0x49: {  	_ =	shalt  }
0x4a: {  	_ =	shalt  }
0x4b: {  	_ =	shalt  }
0x4c: {  	_ =	shalt  }
0x4d: {  	_ =	shalt  }
0x4e: {  	_ =	shalt  }
0x4f: {  	_ =	shalt  }
0x50: {  	_ =	shalt  }
0x51: {  	_ =	shalt  }
0x52: {  	_ =	shalt  }
0x53: {  	_ =	shalt  }
0x54: {  	_ =	shalt  }
0x55: {  	_ =	shalt  }
0x56: {  	_ =	shalt  }
0x57: {  	_ =	shalt  }
0x58: {  	_ =	shalt  }
0x59: {  	_ =	shalt  }
0x5a: {  	_ =	shalt  }
0x5b: {  	_ =	shalt  }
0x5c: {  	_ =	shalt  }
0x5d: {  	_ =	shalt  }
0x5e: {  	_ =	shalt  }
0x5f: {  	_ =	shalt  }
0x60: {  	_ =	shalt  }
0x61: {  	_ =	shalt  }
0x62: {  	_ =	shalt  }
0x63: {  	_ =	shalt  }
0x64: {  	_ =	shalt  }
0x65: {  	_ =	shalt  }
0x66: {  	_ =	shalt  }
0x67: {  	_ =	shalt  }
0x68: {  	_ =	shalt  }
0x69: {  	_ =	shalt  }
0x6a: {  	_ =	shalt  }
0x6b: {  	_ =	shalt  }
0x6c: {  	_ =	shalt  }
0x6d: {  	_ =	shalt  }
0x6e: {  	_ =	shalt  }
0x6f: {  	_ =	shalt  }
0x70: {  	_ =	shalt  }
0x71: {  	_ =	shalt  }
0x72: {  	_ =	shalt  }
0x73: {  	_ =	shalt  }
0x74: {  	_ =	shalt  }
0x75: {  	_ =	shalt  }
0x76: {  	_ =	shalt  }
0x77: {  	_ =	shalt  }
0x78: {  	_ =	shalt  }
0x79: {  	_ =	shalt  }
0x7a: {  	_ =	shalt  }
0x7b: {  	_ =	shalt  }
0x7c: {  	_ =	shalt  }
0x7d: {  	_ =	shalt  }
0x7e: {  	_ =	shalt  }
0x7f: {  	_ =	shalt  }
0x80: {  	_ =	shalt  }
0x81: {  	_ =	shalt  }
0x82: {  	_ =	shalt  }
0x83: {  	_ =	shalt  }
0x84: {  	_ =	shalt  }
0x85: {  	_ =	shalt  }
0x86: {  	_ =	shalt  }
0x87: {  	_ =	shalt  }
.Lfunc_end0:
.L_simem_size_0:
called_computation.1_lowered:
.L_overlay_start_0:
0x88: {  	s2 =	sld [smem:$0x3FD9]  }
0x89: {  	s3 =	sld [smem:$0x3FFE];
	_ =	sdelay $0x1  }
0x8a: {  	s1 =	srdreg.scid  }
0x8b: {  	s0 =	sand.u32 $0x1, s1  }
0x8c: {  	s17 =	sshll.u32 s0, $0xA;
	s2 =	sadd.s32 s3, s2  }
0x8d: {  	s2 =	sadd.s32 s2, s17  }
0x8e: {  	[smem:$0x3FC2] =	sst s2  }
0x8f: {  	_ = 	snop  }
0x90: {  	s2 =	sld [smem:$0x3FD0];
	(tm) =	ssettm $0x1  }
0x91: {  	s18 =	sld [smem:$0x3FFB];
	_ =	sdelay $0x3  }
0x92: {  	_ =	strace s18  }
0x93: {  	s3 =	sld [smem:$0x3FFC];
	_ =	sdelay $0x3  }
0x94: {  	_ =	strace s3  }
0x95: {  	s3 =	sld [smem:$0x3FFD];
	_ =	sdelay $0x3  }
0x96: {  	_ =	strace s3  }
0x97: {  	_ =	strace $0x8FFFFFFF  }
0x98: {  	s19 =	sld [smem:$0x3FDB];
	_ =	sdelay $0x1  }
0x99: {  	s4 =	simm.s32 $_scs_section_size  }
0x9a: {  	s5 =	simm.s32 $_size__tile_overlayer_lowered;
	s6 =	simm.s32 $_tile_overlayer_lowered  }
0x9b: {  	s22 =	simm.s32 $0x1BFF;
	s21 =	sshll.u32 s6, $0x1;
	s3 =	sadd.s32 s4, s19  }
0x9c: {  	s7 =	simm.s32 $0x0;
	s20 =	sshll.u32 s5, $0x1;
	s5 =	sadd.s32 s21, s3  }
0x9d: {  	[timem:s7], [sflag:s22] =	dma.local [hbm:s5], s20  }
0x9e: {  	_ =	swait.ge [sflag:s22], s20  }
0x9f: {  	s4 =	ssub.s32 $0x0, s20;
	[sflag:s22] =	ssyncset.done $0x0  }
0xa0: {  	[sflag:s22] =	ssyncadd.s32 s4;
	_ =	sdelay $0x1  }
0xa1: {  	s23 =	simm.s32 $0x1B8B  }
0xa2: {  	_ =	swait.ge [sflag:s23], $0x1  }
0xa3: {  	[sflag:s23] =	ssyncset.done $0x0  }
0xa4: {  	s25 =	simm.s32 $0x1B8E;
	s24 =	sld [smem:$0x3FFE];
	[sflag:s23] =	ssyncadd.s32 $0xFFFFFFFF  }
0xa5: {  	s26 =	simm.s32 $execute0_lowered;
	[smem:$0x3FD2] =	sst s25  }
0xa6: {  	s5 =	sshll.u32 s26, $0x1;
	_ =	strace $0x80000049;
	[dreg:$0x1] =	wrdreg $0xFFFFFFFF  }
0xa7: {  	s28 =	simm.s32 $_size_execute0_lowered;
	s3 =	sadd.s32 s3, s5;
	[dreg:$0x0] =	wrdreg $0x0  }
0xa8: {  	s5 =	sshll.u32 s28, $0x1;
	[dreg:$0x2] =	wrdreg s3  }
0xa9: {  	[dreg:$0x3] =	wrdreg s5  }
0xaa: {  	[dreg:$0x4] =	wrdreg $0xC0  }
0xab: {  	_ =	task [dreg:s7], $0x5FFFF  }
0xac: {  	[dreg:$0x1] =	wrdreg $0xFFFFFFFF  }
0xad: {  	[dreg:$0x0] =	wrdreg $0x60  }
0xae: {  	[dreg:$0x2] =	wrdreg s24  }
0xaf: {  	[dreg:$0x3] =	wrdreg s2  }
0xb0: {  	[dreg:$0x4] =	wrdreg $0x9C000  }
0xb1: {  	[dreg:$0x5] =	wrdreg $0x9  }
0xb2: {  	_ =	task.clear_ibuf [dreg:s7], $0x6FFFF;
	_ =	strace $0x90000049  }
0xb3: {  	s29 =	simm.s32 $0x9;
	_ =	strace $0x8000004B  }
0xb4: {  	_ =	swait.ge [sflag:s29], $0x1  }
0xb5: {  	[sflag:s29] =	ssyncadd.s32 $0xFFFFFFFF  }
0xb6: {  	_ =	strace $0x9000004B  }
0xb7: {  	_ =	sfence  }
0xb8: {  	s30 =	sld [smem:$0x0];
	_ =	sdelay $0x2  }
0xb9: {  	s31 =	sshll.u32 s1, $0xD;
	s1 =	sshrl.u32 s1, $0x2  }
0xba: {  	s3 =	sand.u32 $0x4000, s31;
	s1 =	sadd.s32 s1, s30  }
0xbb: {  	s0 =	sor.u32 s3, s0;
	s1 =	sshll.u32 s1, $0x11  }
0xbc: {  	s0 =	sor.u32 s1, s0  }
0xbd: {  	s0 =	sadd.s32 $0x8F2B, s0  }
0xbe: {  	[sflag:s0] =	ssyncadd.remote.s32 $0x1  }
0xbf: {  	_ =	sfence.sel $0xFFFF  }
0xc0: {  	[dreg:$0x0] =	wrdreg $0xFFFFFFFF;
	(pc) =	sbr.abs _section_cstart, $3  }
0xc1: {  	[dreg:$0x1] =	wrdreg $0xFFFFFFFF  }
0xc2: {  	_ =	task.clear_ibuf [dreg:s7], $0x2FFFF;
	_ =	strace $0x9FFFFFFF  }
0xc3: {  	(tm) =	ssettm $0x7FFFFFFF  }
tec
execute0_lowered:
.L_overlay_start_1:
0x0: {  	(tag) =	ssettag $0x1  }
0x1: {  	s0 =	rddreg [dreg:$0x0]  }
0x2: {  	s1 =	rddreg [dreg:$0x1]  }
0x3: {  	s2 =	rddreg [dreg:$0x2]  }
0x4: {  	s3 =	srdreg.scid;
	s9 =	stileid.u32  }
0x5: {  	s4 =	simm.s32 $0x0;
	s3 =	sand.u32 $0x1, s3;
	s7 =	smul.u32 $0x14000, s9  }
0x6: {  	s29 =	simm.s32 $0x6;
	s8 =	sshll.u32 s9, $0x1;
	s26 =	smul.u32 $0x140000, s3  }
0x7: {  	s9 =	smul.u32 $0x50000, s9;
	s8 =	sor.u32 s3, s8;
	s3 =	ssub.s32 $0x2, s3  }
0x8: {  	[smem:$0x7FF] =	sst s4;
	s10 =	sshrl.u32 s3, $0x1;
	s4 =	sadd.s32 s7, s26  }
0x9: {  	s7 =	smul.u32 $0x8C00, s8;
	s8 =	sshrl.u32 s9, $0x2;
	s3 =	ssub.s32 s3, s10  }
0xa: {  	s31 =	simm.s32 $0x28;
	s8 =	sadd.s32 s8, s2;
	s26 =	smax.u32 s3, $0x1  }
0xb: {  	_ =	strace $0x8000004A;
	s13 =	sadd.s32 $0x1400, s8;
	[dreg:$0x14] =	wrdreg s26  }
0xc: {  	s30 =	simm.s32 $0x4C00;
	s14 =	sadd.s32 $0x2800, s8;
	[dreg:$0x6] =	wrdreg s13  }
0xd: {  	s5 =	sadd.s32 $0x38E00, s0;
	s15 =	sadd.s32 $0x3C00, s8;
	[dreg:$0x7] =	wrdreg s14  }
0xe: {  	s6 =	sadd.s32 $0x15E00, s0;
	s16 =	sadd.s32 $0x5000, s8;
	[dreg:$0x8] =	wrdreg s15  }
0xf: {  	s9 =	simm.s32 $0x3800;
	s17 =	sadd.s32 $0x6400, s8;
	[dreg:$0x9] =	wrdreg s16  }
0x10: {  	s10 =	simm.s32 $0x1;
	s18 =	sadd.s32 $0x7800, s8;
	[dreg:$0xa] =	wrdreg s17  }
0x11: {  	s4 =	sshrl.u32 s4, $0x3;
	s19 =	sadd.s32 $0x8C00, s8;
	[dreg:$0xb] =	wrdreg s18  }
0x12: {  	s3 =	simm.s32 $0x7400;
	s20 =	sadd.s32 $0xA000, s8;
	[dreg:$0xc] =	wrdreg s19  }
0x13: {  	s0 =	sadd.s32 s4, s0;
	s21 =	sadd.s32 $0xB400, s8;
	[dreg:$0xd] =	wrdreg s20  }
0x14: {  	s11 =	sshrl.u32 s7, $0x3;
	s22 =	sadd.s32 $0xC800, s8;
	[dreg:$0xe] =	wrdreg s21  }
0x15: {  	s23 =	sadd.s32 $0xDC00, s8;
	s24 =	sadd.s32 $0xF000, s8;
	[dreg:$0xf] =	wrdreg s22  }
0x16: {  	s25 =	sadd.s32 $0x10400, s8;
	s26 =	sadd.s32 $0x11800, s8;
	[dreg:$0x10] =	wrdreg s23  }
0x17: {  	s28 =	sadd.s32 $0x12C00, s8;
	s12 =	sadd.s32 s1, s11;
	[dreg:$0x11] =	wrdreg s24  }
0x18: {  	s4 =	sadd.s32 s6, s11;
	[dreg:$0x12] =	wrdreg s25;
	s0 =	sadd.s32 $0x60E00, s0  }
0x19: {  	s11 =	simm.s32 $0x2;
	s13 =	simm.s32 $0x4;
	s14 =	simm.s32 $0x5  }
0x1a: {  	s15 =	simm.s32 $0x3280;
	s16 =	simm.s32 $0x3300;
	[dreg:$0x4] =	wrdreg s12  }
0x1b: {  	s17 =	simm.s32 $0x3380;
	s18 =	simm.s32 $0x3400;
	[dreg:$0x5] =	wrdreg s4  }
0x1c: {  	s19 =	simm.s32 $0x3480;
	s20 =	simm.s32 $0x0;
	[dreg:$0x13] =	wrdreg s0  }
0x1d: {  	v0 =	vimm.f32 $0.0e+00;
	s0 =	simm.s32 $0x6000;
	s4 =	simm.s32 $0x8800;
	s12 =	simm.s32 $0x3  }
.LBB2_1:
0x1e: {  	s21 =	simm.s32 $0x0;
	s22 =	rddreg [dreg:$0x4]  }
0x1f: {  	[tilespmem:s21], [sflag:$0x6] =	stream.linear.gather [hbm4b:s22+s21], $0x1900, $0x38;
	[tilespmem:$0x1DC00] =	vst v63  }
0x20: {  	_ =	swait.ge [sflag:s29], $0x1900  }
0x21: {  	[sflag:s29] =	ssyncset.done $0x0  }
0x22: {  	s23 =	simm.s32 $0x1C00;
	s25 =	rddreg [dreg:$0x5];
	[sflag:s29] =	ssyncadd.s32 $0xFFFFE700  }
0x23: {  	[tilespmem:s23], [sflag:$0x6] =	stream.linear.gather [hbm4b:s25+s21], $0x1900, $0x38;
	[tilespmem:$0x1DC00] =	vst v63  }
0x24: {  	_ =	swait.ge [sflag:s29], $0x1900  }
0x25: {  	[sflag:s29] =	ssyncset.done $0x0  }
0x26: {  	s22 =	simm.s32 $0x80;
	[sflag:s29] =	ssyncadd.s32 $0xFFFFE700  }
0x27: {  	[tilespmem:s30], [sflag:$0x2] =	stream.indirect.gather [hbm4b:s5+s31], $0x80, s22, s31, $0xb8;
	[tilespmem:$0x1DC00] =	vst v63  }
0x28: {  	s23 =	simm.s32 $0x100  }
0x29: {  	[tilespmem:s0], [sflag:$0x3] =	stream.indirect.gather [hbm4b:s5+s31], $0x80, s23, s31, $0xb8;
	[tilespmem:$0x1DC00] =	vst v63  }
0x2a: {  	s24 =	simm.s32 $0x180  }
0x2b: {  	[tilespmem:s3], [sflag:$0x4] =	stream.indirect.gather [hbm4b:s5+s31], $0x80, s24, s31, $0xb8;
	[tilespmem:$0x1DC00] =	vst v63  }
0x2c: {  	s25 =	simm.s32 $0x200;
	s21 =	simm.s32 $0x0;
	s22 =	simm.s32 $0x200  }
0x2d: {  	[tilespmem:s4], [sflag:$0x5] =	stream.indirect.gather [hbm4b:s5+s31], $0x80, s25, s31, $0xb8;
	[tilespmem:$0x1DC00] =	vst v63  }
.LBB2_2:
0x2e: {  	p0 =	sne.s32 s22, $0x4E00;
	[tilespmem:s21+$0x3870] =	vst v0  }
0x2f: {  	[tilespmem:s21+$0x3800] =	vst v0  }
0x30: {  	[tilespmem:s21+$0x3810] =	vst v0  }
.Ltmp0:
0x31: {  	[tilespmem:s21+$0x3820] =	vst v0;
	(pc) =	sbr.rel @p0 .LBB2_2-.Ltmp0, $4  }
0x32: {  	[tilespmem:s21+$0x3830] =	vst v0  }
0x33: {  	[tilespmem:s21+$0x3840] =	vst v0  }
0x34: {  	[tilespmem:s21+$0x3850] =	vst v0  }
0x35: {  	[tilespmem:s21+$0x3860] =	vst v0;
	s21 =	sshra.s32 s22, $0x2;
	s22 =	sadd.s32 $0x200, s22  }
0x36: {  	[tilespmem:s21+$0x3870] =	vst v0  }
0x37: {  	[tilespmem:s21+$0x3800] =	vst v0  }
0x38: {  	[tilespmem:s21+$0x3810] =	vst v0  }
0x39: {  	[tilespmem:s21+$0x3820] =	vst v0  }
0x3a: {  	[tilespmem:s21+$0x3830] =	vst v0  }
0x3b: {  	[tilespmem:s21+$0x3840] =	vst v0  }
0x3c: {  	[tilespmem:s21+$0x3850] =	vst v0  }
0x3d: {  	[tilespmem:s21+$0x3860] =	vst v0  }
0x3e: {  	[spmem:s8] =	stream.linear.scatter [tilespmem:s9], [sflag:$0x6], $0x1400, $0x38;
	[tilespmem:$0x1DC00] =	vst v63  }
0x3f: {  	_ =	swait.ge [sflag:s29], $0x1400  }
0x40: {  	[sflag:s29] =	ssyncset.done $0x0  }
0x41: {  	s25 =	rddreg [dreg:$0x6];
	[sflag:s29] =	ssyncadd.s32 $0xFFFFEC00  }
0x42: {  	[spmem:s25] =	stream.linear.scatter [tilespmem:s9], [sflag:$0x6], $0x1400, $0x38;
	[tilespmem:$0x1DC00] =	vst v63  }
0x43: {  	_ =	swait.ge [sflag:s29], $0x1400  }
0x44: {  	[sflag:s29] =	ssyncset.done $0x0  }
0x45: {  	s22 =	rddreg [dreg:$0x7];
	[sflag:s29] =	ssyncadd.s32 $0xFFFFEC00  }
0x46: {  	[spmem:s22] =	stream.linear.scatter [tilespmem:s9], [sflag:$0x6], $0x1400, $0x38;
	[tilespmem:$0x1DC00] =	vst v63  }
0x47: {  	_ =	swait.ge [sflag:s29], $0x1400  }
0x48: {  	[sflag:s29] =	ssyncset.done $0x0  }
0x49: {  	s23 =	rddreg [dreg:$0x8];
	[sflag:s29] =	ssyncadd.s32 $0xFFFFEC00  }
0x4a: {  	[spmem:s23] =	stream.linear.scatter [tilespmem:s9], [sflag:$0x6], $0x1400, $0x38;
	[tilespmem:$0x1DC00] =	vst v63  }
0x4b: {  	_ =	swait.ge [sflag:s29], $0x1400  }
0x4c: {  	[sflag:s29] =	ssyncset.done $0x0  }
0x4d: {  	s24 =	rddreg [dreg:$0x9];
	[sflag:s29] =	ssyncadd.s32 $0xFFFFEC00  }
0x4e: {  	[spmem:s24] =	stream.linear.scatter [tilespmem:s9], [sflag:$0x6], $0x1400, $0x38;
	[tilespmem:$0x1DC00] =	vst v63  }
0x4f: {  	_ =	swait.ge [sflag:s29], $0x1400  }
0x50: {  	[sflag:s29] =	ssyncset.done $0x0  }
0x51: {  	s25 =	rddreg [dreg:$0xa];
	[sflag:s29] =	ssyncadd.s32 $0xFFFFEC00  }
0x52: {  	[spmem:s25] =	stream.linear.scatter [tilespmem:s9], [sflag:$0x6], $0x1400, $0x38;
	[tilespmem:$0x1DC00] =	vst v63  }
0x53: {  	_ =	swait.ge [sflag:s29], $0x1400  }
0x54: {  	[sflag:s29] =	ssyncset.done $0x0  }
0x55: {  	s22 =	rddreg [dreg:$0xb];
	[sflag:s29] =	ssyncadd.s32 $0xFFFFEC00  }
0x56: {  	[spmem:s22] =	stream.linear.scatter [tilespmem:s9], [sflag:$0x6], $0x1400, $0x38;
	[tilespmem:$0x1DC00] =	vst v63  }
0x57: {  	_ =	swait.ge [sflag:s29], $0x1400  }
0x58: {  	[sflag:s29] =	ssyncset.done $0x0  }
0x59: {  	s23 =	rddreg [dreg:$0xc];
	[sflag:s29] =	ssyncadd.s32 $0xFFFFEC00  }
0x5a: {  	[spmem:s23] =	stream.linear.scatter [tilespmem:s9], [sflag:$0x6], $0x1400, $0x38;
	[tilespmem:$0x1DC00] =	vst v63  }
0x5b: {  	_ =	swait.ge [sflag:s29], $0x1400  }
0x5c: {  	[sflag:s29] =	ssyncset.done $0x0  }
0x5d: {  	s24 =	rddreg [dreg:$0xd];
	[sflag:s29] =	ssyncadd.s32 $0xFFFFEC00  }
0x5e: {  	[spmem:s24] =	stream.linear.scatter [tilespmem:s9], [sflag:$0x6], $0x1400, $0x38;
	[tilespmem:$0x1DC00] =	vst v63  }
0x5f: {  	_ =	swait.ge [sflag:s29], $0x1400  }
0x60: {  	[sflag:s29] =	ssyncset.done $0x0  }
0x61: {  	s25 =	rddreg [dreg:$0xe];
	[sflag:s29] =	ssyncadd.s32 $0xFFFFEC00  }
0x62: {  	[spmem:s25] =	stream.linear.scatter [tilespmem:s9], [sflag:$0x6], $0x1400, $0x38;
	[tilespmem:$0x1DC00] =	vst v63  }
0x63: {  	_ =	swait.ge [sflag:s29], $0x1400  }
0x64: {  	[sflag:s29] =	ssyncset.done $0x0  }
0x65: {  	s22 =	rddreg [dreg:$0xf];
	[sflag:s29] =	ssyncadd.s32 $0xFFFFEC00  }
0x66: {  	[spmem:s22] =	stream.linear.scatter [tilespmem:s9], [sflag:$0x6], $0x1400, $0x38;
	[tilespmem:$0x1DC00] =	vst v63  }
0x67: {  	_ =	swait.ge [sflag:s29], $0x1400  }
0x68: {  	[sflag:s29] =	ssyncset.done $0x0  }
0x69: {  	s23 =	rddreg [dreg:$0x10];
	[sflag:s29] =	ssyncadd.s32 $0xFFFFEC00  }
0x6a: {  	[spmem:s23] =	stream.linear.scatter [tilespmem:s9], [sflag:$0x6], $0x1400, $0x38;
	[tilespmem:$0x1DC00] =	vst v63  }
0x6b: {  	_ =	swait.ge [sflag:s29], $0x1400  }
0x6c: {  	[sflag:s29] =	ssyncset.done $0x0  }
0x6d: {  	s24 =	rddreg [dreg:$0x11];
	[sflag:s29] =	ssyncadd.s32 $0xFFFFEC00  }
0x6e: {  	[spmem:s24] =	stream.linear.scatter [tilespmem:s9], [sflag:$0x6], $0x1400, $0x38;
	[tilespmem:$0x1DC00] =	vst v63  }
0x6f: {  	_ =	swait.ge [sflag:s29], $0x1400  }
0x70: {  	[sflag:s29] =	ssyncset.done $0x0  }
0x71: {  	s25 =	rddreg [dreg:$0x12];
	[sflag:s29] =	ssyncadd.s32 $0xFFFFEC00  }
0x72: {  	[spmem:s25] =	stream.linear.scatter [tilespmem:s9], [sflag:$0x6], $0x1400, $0x38;
	[tilespmem:$0x1DC00] =	vst v63  }
0x73: {  	_ =	swait.ge [sflag:s29], $0x1400  }
0x74: {  	[sflag:s29] =	ssyncset.done $0x0  }
0x75: {  	[sflag:s29] =	ssyncadd.s32 $0xFFFFEC00  }
0x76: {  	[spmem:s26] =	stream.linear.scatter [tilespmem:s9], [sflag:$0x6], $0x1400, $0x38;
	[tilespmem:$0x1DC00] =	vst v63  }
0x77: {  	_ =	swait.ge [sflag:s29], $0x1400  }
0x78: {  	[sflag:s29] =	ssyncset.done $0x0  }
0x79: {  	[sflag:s29] =	ssyncadd.s32 $0xFFFFEC00  }
0x7a: {  	[spmem:s28] =	stream.linear.scatter [tilespmem:s9], [sflag:$0x6], $0x1400, $0x38;
	[tilespmem:$0x1DC00] =	vst v63  }
0x7b: {  	_ =	swait.ge [sflag:s29], $0x1400  }
0x7c: {  	[sflag:s29] =	ssyncset.done $0x0  }
0x7d: {  	s21 =	simm.s32 $0x0;
	[sflag:s29] =	ssyncadd.s32 $0xFFFFEC00  }
0x7e: {  	[tilespmem:s9], [sflag:$0x1] =	stream.indirect.gather [hbm4b:s5+s31], $0x80, s21, s31, $0xb8;
	[tilespmem:$0x1DC00] =	vst v63  }
0x7f: {  	[bflag:$0x0] =	sbarrier.arrive $0xFFFF  }
.LBB2_4:
0x80: {  	p0 =	seq.s32 s21, $0x0  }
0x81: {  	s22 =	smul.u32 @!p0 $0x1C00, s21;
	_ =	sdelay $0x1  }
0x82: {  	s22 =	sadd.s32 @!p0 s7, s22  }
0x83: {  	s22 =	sshrl.u32 @!p0 s22, $0x3  }
0x84: {  	s24 =	simm.s32 @!p0 $0x0;
	s23 =	sadd.s32 @!p0 s1, s22  }
0x85: {  	[tilespmem:s24], [sflag:$0x6] =	stream.linear.gather @!p0 [hbm4b:s23+s24], $0x1900, $0x38;
	[tilespmem:$0x1DC00] =	vst v63  }
0x86: {  	s23 =	simm.s32 @!p0 $0x6  }
0x87: {  	_ =	swait.ge @!p0 [sflag:s23], $0x1900  }
0x88: {  	[sflag:s23] =	ssyncset.done @!p0 $0x0  }
0x89: {  	s25 =	simm.s32 @!p0 $0x1C00;
	s22 =	sadd.s32 @!p0 s6, s22;
	[sflag:s23] =	ssyncadd.s32 @!p0 $0xFFFFE700  }
0x8a: {  	[tilespmem:s25], [sflag:$0x6] =	stream.linear.gather @!p0 [hbm4b:s22+s24], $0x1900, $0x38;
	[tilespmem:$0x1DC00] =	vst v63  }
0x8b: {  	_ =	swait.ge @!p0 [sflag:s23], $0x1900  }
0x8c: {  	[sflag:s23] =	ssyncset.done @!p0 $0x0  }
0x8d: {  	s22 =	simm.s32 @!p0 $0x28;
	[sflag:s23] =	ssyncadd.s32 @!p0 $0xFFFFE700;
	s23 =	simm.s32 @!p0 $0x3800  }
0x8e: {  	[tilespmem:s23], [sflag:$0x1] =	stream.indirect.gather @!p0 [hbm4b:s5+s22], $0x80, s24, s22, $0xb8;
	[tilespmem:$0x1DC00] =	vst v63  }
0x8f: {  	s23 =	simm.s32 @!p0 $0x80;
	s24 =	simm.s32 @!p0 $0x4C00  }
0x90: {  	[tilespmem:s24], [sflag:$0x2] =	stream.indirect.gather @!p0 [hbm4b:s5+s22], $0x80, s23, s22, $0xb8;
	[tilespmem:$0x1DC00] =	vst v63  }
0x91: {  	s23 =	simm.s32 @!p0 $0x100;
	s24 =	simm.s32 @!p0 $0x6000  }
0x92: {  	[tilespmem:s24], [sflag:$0x3] =	stream.indirect.gather @!p0 [hbm4b:s5+s22], $0x80, s23, s22, $0xb8;
	[tilespmem:$0x1DC00] =	vst v63  }
0x93: {  	s23 =	simm.s32 @!p0 $0x180;
	s24 =	simm.s32 @!p0 $0x7400  }
0x94: {  	[tilespmem:s24], [sflag:$0x4] =	stream.indirect.gather @!p0 [hbm4b:s5+s22], $0x80, s23, s22, $0xb8;
	[tilespmem:$0x1DC00] =	vst v63  }
0x95: {  	s23 =	simm.s32 @!p0 $0x200;
	s24 =	simm.s32 @!p0 $0x8800  }
0x96: {  	[tilespmem:s24], [sflag:$0x5] =	stream.indirect.gather @!p0 [hbm4b:s5+s22], $0x80, s23, s22, $0xb8;
	[tilespmem:$0x1DC00] =	vst v63  }
0x97: {  	_ =	swait.ge [sflag:s10], $0x1400  }
0x98: {  	[sflag:s10] =	ssyncset.done $0x0  }
0x99: {  	s23 =	simm.s32 $0x1C00;
	[sflag:s10] =	ssyncadd.s32 $0xFFFFEC00  }
0x9a: {  	[spmem:s2] =	stream.indirect.scatter.add.f32 [tilespmem:s9], [sflag:$0x6], $0x80, s23, s31, $0xb8;
	[tilespmem:$0x1DC00] =	vst v63  }
0x9b: {  	_ =	swait.ge [sflag:s29], $0x1400  }
0x9c: {  	[sflag:s29] =	ssyncset.done $0x0  }
0x9d: {  	s24 =	simm.s32 $0x280;
	[sflag:s29] =	ssyncadd.s32 $0xFFFFEC00  }
0x9e: {  	[tilespmem:s9], [sflag:$0x1] =	stream.indirect.gather [hbm4b:s5+s31], $0x80, s24, s31, $0xb8;
	[tilespmem:$0x1DC00] =	vst v63  }
0x9f: {  	_ =	swait.ge [sflag:s11], $0x1400  }
0xa0: {  	[sflag:s11] =	ssyncset.done $0x0  }
0xa1: {  	s25 =	simm.s32 $0x1C80;
	[sflag:s11] =	ssyncadd.s32 $0xFFFFEC00  }
0xa2: {  	[spmem:s2] =	stream.indirect.scatter.add.f32 [tilespmem:s30], [sflag:$0x6], $0x80, s25, s31, $0xb8;
	[tilespmem:$0x1DC00] =	vst v63  }
0xa3: {  	_ =	swait.ge [sflag:s29], $0x1400  }
0xa4: {  	[sflag:s29] =	ssyncset.done $0x0  }
0xa5: {  	s23 =	simm.s32 $0x300;
	[sflag:s29] =	ssyncadd.s32 $0xFFFFEC00  }
0xa6: {  	[tilespmem:s30], [sflag:$0x2] =	stream.indirect.gather [hbm4b:s5+s31], $0x80, s23, s31, $0xb8;
	[tilespmem:$0x1DC00] =	vst v63  }
0xa7: {  	_ =	swait.ge [sflag:s12], $0x1400  }
0xa8: {  	[sflag:s12] =	ssyncset.done $0x0  }
0xa9: {  	s24 =	simm.s32 $0x1D00;
	[sflag:s12] =	ssyncadd.s32 $0xFFFFEC00  }
0xaa: {  	[spmem:s2] =	stream.indirect.scatter.add.f32 [tilespmem:s0], [sflag:$0x6], $0x80, s24, s31, $0xb8;
	[tilespmem:$0x1DC00] =	vst v63  }
0xab: {  	_ =	swait.ge [sflag:s29], $0x1400  }
0xac: {  	[sflag:s29] =	ssyncset.done $0x0  }
0xad: {  	s25 =	simm.s32 $0x380;
	[sflag:s29] =	ssyncadd.s32 $0xFFFFEC00  }
0xae: {  	[tilespmem:s0], [sflag:$0x3] =	stream.indirect.gather [hbm4b:s5+s31], $0x80, s25, s31, $0xb8;
	[tilespmem:$0x1DC00] =	vst v63  }
0xaf: {  	_ =	swait.ge [sflag:s13], $0x1400  }
0xb0: {  	[sflag:s13] =	ssyncset.done $0x0  }
0xb1: {  	s23 =	simm.s32 $0x1D80;
	[sflag:s13] =	ssyncadd.s32 $0xFFFFEC00  }
0xb2: {  	[spmem:s2] =	stream.indirect.scatter.add.f32 [tilespmem:s3], [sflag:$0x6], $0x80, s23, s31, $0xb8;
	[tilespmem:$0x1DC00] =	vst v63  }
0xb3: {  	_ =	swait.ge [sflag:s29], $0x1400  }
0xb4: {  	[sflag:s29] =	ssyncset.done $0x0  }
0xb5: {  	s24 =	simm.s32 $0x400;
	[sflag:s29] =	ssyncadd.s32 $0xFFFFEC00  }
0xb6: {  	[tilespmem:s3], [sflag:$0x4] =	stream.indirect.gather [hbm4b:s5+s31], $0x80, s24, s31, $0xb8;
	[tilespmem:$0x1DC00] =	vst v63  }
0xb7: {  	_ =	swait.ge [sflag:s14], $0x1400  }
0xb8: {  	[sflag:s14] =	ssyncset.done $0x0  }
0xb9: {  	s25 =	simm.s32 $0x1E00;
	[sflag:s14] =	ssyncadd.s32 $0xFFFFEC00  }
0xba: {  	[spmem:s2] =	stream.indirect.scatter.add.f32 [tilespmem:s4], [sflag:$0x6], $0x80, s25, s31, $0xb8;
	[tilespmem:$0x1DC00] =	vst v63  }
0xbb: {  	_ =	swait.ge [sflag:s29], $0x1400  }
0xbc: {  	[sflag:s29] =	ssyncset.done $0x0  }
0xbd: {  	s22 =	simm.s32 $0xA00;
	s23 =	simm.s32 $0x480;
	[sflag:s29] =	ssyncadd.s32 $0xFFFFEC00  }
.LBB2_5:
0xbe: {  	[tilespmem:s4], [sflag:$0x5] =	stream.indirect.gather [hbm4b:s5+s31], $0x80, s23, s31, $0xb8;
	[tilespmem:$0x1DC00] =	vst v63  }
0xbf: {  	s23 =	smov.u32 s22  }
0xc0: {  	p0 =	sne.s32 s22, $0x5000;
	s22 =	sadd.s32 $0xA00, s22;
	_ =	swait.ge [sflag:s10], $0x1400  }
0xc1: {  	s23 =	sshra.s32 s23, $0x2;
	[sflag:s10] =	ssyncset.done $0x0  }
0xc2: {  	s24 =	sadd.s32 $0x1C00, s23;
	[sflag:s10] =	ssyncadd.s32 $0xFFFFEC00  }
0xc3: {  	[spmem:s2] =	stream.indirect.scatter.add.f32 [tilespmem:s9], [sflag:$0x6], $0x80, s24, s31, $0xb8;
	[tilespmem:$0x1DC00] =	vst v63  }
0xc4: {  	_ =	swait.ge [sflag:s29], $0x1400  }
0xc5: {  	[sflag:s29] =	ssyncset.done $0x0  }
0xc6: {  	s24 =	sadd.s32 $0x280, s23;
	[sflag:s29] =	ssyncadd.s32 $0xFFFFEC00  }
0xc7: {  	[tilespmem:s9], [sflag:$0x1] =	stream.indirect.gather [hbm4b:s5+s31], $0x80, s24, s31, $0xb8;
	[tilespmem:$0x1DC00] =	vst v63  }
0xc8: {  	_ =	swait.ge [sflag:s11], $0x1400  }
0xc9: {  	[sflag:s11] =	ssyncset.done $0x0  }
0xca: {  	s24 =	sadd.s32 $0x1C80, s23;
	[sflag:s11] =	ssyncadd.s32 $0xFFFFEC00  }
0xcb: {  	[spmem:s2] =	stream.indirect.scatter.add.f32 [tilespmem:s30], [sflag:$0x6], $0x80, s24, s31, $0xb8;
	[tilespmem:$0x1DC00] =	vst v63  }
0xcc: {  	_ =	swait.ge [sflag:s29], $0x1400  }
0xcd: {  	[sflag:s29] =	ssyncset.done $0x0  }
0xce: {  	s24 =	sadd.s32 $0x300, s23;
	[sflag:s29] =	ssyncadd.s32 $0xFFFFEC00  }
0xcf: {  	[tilespmem:s30], [sflag:$0x2] =	stream.indirect.gather [hbm4b:s5+s31], $0x80, s24, s31, $0xb8;
	[tilespmem:$0x1DC00] =	vst v63  }
0xd0: {  	_ =	swait.ge [sflag:s12], $0x1400  }
0xd1: {  	[sflag:s12] =	ssyncset.done $0x0  }
0xd2: {  	s24 =	sadd.s32 $0x1D00, s23;
	[sflag:s12] =	ssyncadd.s32 $0xFFFFEC00  }
0xd3: {  	[spmem:s2] =	stream.indirect.scatter.add.f32 [tilespmem:s0], [sflag:$0x6], $0x80, s24, s31, $0xb8;
	[tilespmem:$0x1DC00] =	vst v63  }
0xd4: {  	_ =	swait.ge [sflag:s29], $0x1400  }
0xd5: {  	[sflag:s29] =	ssyncset.done $0x0  }
0xd6: {  	s24 =	sadd.s32 $0x380, s23;
	[sflag:s29] =	ssyncadd.s32 $0xFFFFEC00  }
0xd7: {  	[tilespmem:s0], [sflag:$0x3] =	stream.indirect.gather [hbm4b:s5+s31], $0x80, s24, s31, $0xb8;
	[tilespmem:$0x1DC00] =	vst v63  }
0xd8: {  	_ =	swait.ge [sflag:s13], $0x1400  }
0xd9: {  	[sflag:s13] =	ssyncset.done $0x0  }
0xda: {  	s24 =	sadd.s32 $0x1D80, s23;
	[sflag:s13] =	ssyncadd.s32 $0xFFFFEC00  }
0xdb: {  	[spmem:s2] =	stream.indirect.scatter.add.f32 [tilespmem:s3], [sflag:$0x6], $0x80, s24, s31, $0xb8;
	[tilespmem:$0x1DC00] =	vst v63  }
0xdc: {  	_ =	swait.ge [sflag:s29], $0x1400  }
0xdd: {  	[sflag:s29] =	ssyncset.done $0x0  }
0xde: {  	s24 =	sadd.s32 $0x400, s23;
	[sflag:s29] =	ssyncadd.s32 $0xFFFFEC00  }
0xdf: {  	[tilespmem:s3], [sflag:$0x4] =	stream.indirect.gather [hbm4b:s5+s31], $0x80, s24, s31, $0xb8;
	[tilespmem:$0x1DC00] =	vst v63  }
0xe0: {  	_ =	swait.ge [sflag:s14], $0x1400  }
0xe1: {  	[sflag:s14] =	ssyncset.done $0x0  }
.Ltmp1:
0xe2: {  	s24 =	sadd.s32 $0x1E00, s23;
	[sflag:s14] =	ssyncadd.s32 $0xFFFFEC00;
	(pc) =	sbr.rel @p0 .LBB2_5-.Ltmp1, $4  }
0xe3: {  	[spmem:s2] =	stream.indirect.scatter.add.f32 [tilespmem:s4], [sflag:$0x6], $0x80, s24, s31, $0xb8;
	[tilespmem:$0x1DC00] =	vst v63  }
0xe4: {  	_ =	swait.ge [sflag:s29], $0x1400  }
0xe5: {  	[sflag:s29] =	ssyncset.done $0x0  }
0xe6: {  	s23 =	sadd.s32 $0x480, s23;
	[sflag:s29] =	ssyncadd.s32 $0xFFFFEC00  }
0xe7: {  	[tilespmem:s4], [sflag:$0x5] =	stream.indirect.gather [hbm4b:s5+s31], $0x80, s23, s31, $0xb8;
	[tilespmem:$0x1DC00] =	vst v63  }
0xe8: {  	_ =	swait.ge [sflag:s10], $0x1400  }
0xe9: {  	[sflag:s10] =	ssyncset.done $0x0  }
0xea: {  	[sflag:s10] =	ssyncadd.s32 $0xFFFFEC00  }
0xeb: {  	[spmem:s2] =	stream.indirect.scatter.add.f32 [tilespmem:s9], [sflag:$0x6], $0x80, s15, s31, $0xb8;
	[tilespmem:$0x1DC00] =	vst v63  }
0xec: {  	_ =	swait.ge [sflag:s29], $0x1400  }
0xed: {  	[sflag:s29] =	ssyncset.done $0x0  }
0xee: {  	[sflag:s29] =	ssyncadd.s32 $0xFFFFEC00  }
0xef: {  	_ =	swait.ge [sflag:s11], $0x1400  }
0xf0: {  	[sflag:s11] =	ssyncset.done $0x0  }
0xf1: {  	[sflag:s11] =	ssyncadd.s32 $0xFFFFEC00  }
0xf2: {  	[spmem:s2] =	stream.indirect.scatter.add.f32 [tilespmem:s30], [sflag:$0x6], $0x80, s16, s31, $0xb8;
	[tilespmem:$0x1DC00] =	vst v63  }
0xf3: {  	_ =	swait.ge [sflag:s29], $0x1400  }
0xf4: {  	[sflag:s29] =	ssyncset.done $0x0  }
0xf5: {  	[sflag:s29] =	ssyncadd.s32 $0xFFFFEC00  }
0xf6: {  	_ =	swait.ge [sflag:s12], $0x1400  }
0xf7: {  	[sflag:s12] =	ssyncset.done $0x0  }
0xf8: {  	[sflag:s12] =	ssyncadd.s32 $0xFFFFEC00  }
0xf9: {  	[spmem:s2] =	stream.indirect.scatter.add.f32 [tilespmem:s0], [sflag:$0x6], $0x80, s17, s31, $0xb8;
	[tilespmem:$0x1DC00] =	vst v63  }
0xfa: {  	_ =	swait.ge [sflag:s29], $0x1400  }
0xfb: {  	[sflag:s29] =	ssyncset.done $0x0  }
0xfc: {  	[sflag:s29] =	ssyncadd.s32 $0xFFFFEC00  }
0xfd: {  	_ =	swait.ge [sflag:s13], $0x1400  }
0xfe: {  	[sflag:s13] =	ssyncset.done $0x0  }
0xff: {  	[sflag:s13] =	ssyncadd.s32 $0xFFFFEC00  }
0x100: {  	[spmem:s2] =	stream.indirect.scatter.add.f32 [tilespmem:s3], [sflag:$0x6], $0x80, s18, s31, $0xb8;
	[tilespmem:$0x1DC00] =	vst v63  }
0x101: {  	_ =	swait.ge [sflag:s29], $0x1400  }
0x102: {  	[sflag:s29] =	ssyncset.done $0x0  }
0x103: {  	[sflag:s29] =	ssyncadd.s32 $0xFFFFEC00  }
0x104: {  	s21 =	sadd.s32 $0x1, s21;
	_ =	swait.ge [sflag:s14], $0x1400  }
0x105: {  	p0 =	sne.s32 s21, $0x5;
	[sflag:s14] =	ssyncset.done $0x0  }
.Ltmp2:
0x106: {  	[sflag:s14] =	ssyncadd.s32 $0xFFFFEC00;
	(pc) =	sbr.rel @p0 .LBB2_4-.Ltmp2, $4  }
0x107: {  	[spmem:s2] =	stream.indirect.scatter.add.f32 [tilespmem:s4], [sflag:$0x6], $0x80, s19, s31, $0xb8;
	[tilespmem:$0x1DC00] =	vst v63  }
0x108: {  	_ =	swait.ge [sflag:s29], $0x1400  }
0x109: {  	[sflag:s29] =	ssyncset.done $0x0  }
0x10a: {  	[sflag:s29] =	ssyncadd.s32 $0xFFFFEC00  }
0x10b: {  	s21 =	stileid.u32  }
0x10c: {  	[bflag:$0x0] =	sbarrier.arrive $0xFFFF;
	s21 =	sshll.u32 s21, $0x6  }
0x10d: {  	s22 =	sshrl.u32 s8, $0x3;
	s23 =	rddreg [dreg:$0x13];
	s21 =	sor.u32 $0x1C06, s21  }
0x10e: {  	[hbm:s23], [sflag:s21] =	dma.local [spmem:s22], $0x2800  }
0x10f: {  	_ =	swait.ge [sflag:s29], $0x2800  }
0x110: {  	s20 =	sadd.s32 $0x1, s20;
	s25 =	rddreg [dreg:$0x14]  }
0x111: {  	p0 =	sne.s32 s20, s25  }
.Ltmp3:
0x112: {  	_ = 	snop;
	(pc) =	sbr.rel @p0 .LBB2_1-.Ltmp3, $3  }
0x113: {  	_ =	sdelay $0x1  }
0x114: {  	[sflag:s29] =	ssyncset.done $0x0  }
0x115: {  	[sflag:s29] =	ssyncadd.s32 $0xFFFFD800  }
0x116: {  	_ =	sfence.sel $0x180000  }
0x117: {  	[bflag:$0x0] =	sbarrier.arrive $0xFFFF  }
0x118: {  	_ =	strace $0x9000004A  }
0x119: {  	s0 =	stileid.u32;
	[bflag:$0x2] =	sbarrier.arrive $0xFFFF  }
0x11a: {  	p0 =	sne.s32 s0, $0x0;
	s0 =	rddreg [dreg:$0x3]  }
0x11b: {  	s0 =	sadd.s32 @!p0 $0x100000, s0  }
0x11c: {  	[sflag:s0] =	ssyncadd.tile.s32 @!p0 $0x1;
	_ =	shalt  }
.Lfunc_end2:
_tile_overlayer_lowered:
.L_overlay_start_2:
0x11d: {  	(tag) =	ssettag $0x2  }
0x11e: {  	s0 =	rddreg [dreg:$0x0];
	s2 =	stileid.u32  }
0x11f: {  	s1 =	rddreg [dreg:$0x1];
	p0 =	sne.s32 s2, $0x0  }
0x120: {  	s3 =	rddreg [dreg:$0x2];
	[bflag:$0x3] =	sbarrier.arrive $0xFFFF;
	s2 =	simm.s32 @!p0 $0x1C06  }
0x121: {  	[timem:s3], [sflag:s2] =	dma.local @!p0 [hbm:s0], s1  }
0x122: {  	s0 =	simm.s32 @!p0 $0x6  }
0x123: {  	_ =	swait.ge @!p0 [sflag:s0], s1  }
0x124: {  	s1 =	ssub.s32 @!p0 $0x0, s1;
	[sflag:s0] =	ssyncset.done @!p0 $0x0  }
0x125: {  	[sflag:s0] =	ssyncadd.s32 @!p0 s1  }
0x126: {  	[bflag:$0x3] =	sbarrier.arrive $0xFFFF  }
0x127: {  	_ =	shalt  }

</sc_bundles>
